<compile_context>
chip_gen: v7x
topology: tpu7x:2x2x1
jax: 0.10.2.dev20260603
libtpu: 0.0.44.dev20260713+nightly
codegen_flags: <defaults>
</compile_context>

<pallas_src>
import jax
import jax.numpy as jnp
from jax import lax
from jax.experimental import pallas as pl
from jax.experimental.pallas import tpu as pltpu
from jax.experimental.pallas import tpu_sc as plsc

BATCH = 16384
HID = 64
NC = 2
NS = 16
DPW = HID // NS
VOC = 100000
OCHUNK = 4096
NOC = BATCH // OCHUNK


def _sc_gather_body(ptT_hbm, ntT_hbm, xT_hbm, hT_hbm,
                    idxv, rowv, ob0, ob1, osem):
    cid = lax.axis_index("c")
    sid = lax.axis_index("s")
    wid = sid * NC + cid
    obs = (ob0, ob1)

    for phase, tbl in ((0, ptT_hbm), (1, ntT_hbm)):
        pltpu.sync_copy(xT_hbm.at[phase], idxv)
        for k in range(2):
            d = wid * 2 + k
            pltpu.sync_copy(tbl.at[d], rowv)
            g = phase * HID + d
            writeouts = []
            for ci in range(NOC):
                ob = obs[ci % 2]
                if ci >= 2:
                    writeouts[ci - 2].wait()

                @plsc.parallel_loop(0, OCHUNK, step=16, unroll=8)
                def _gather(t, ci=ci, ob=ob):
                    iv = idxv[pl.ds(ci * OCHUNK + t, 16)]
                    ob[pl.ds(t, 16)] = plsc.load_gather(rowv, [iv])

                writeouts.append(pltpu.async_copy(
                    ob, hT_hbm.at[g, pl.ds(ci * OCHUNK, OCHUNK)], osem))
            for wo in writeouts[-2:]:
                wo.wait()


def _sc_gather(ptT, ntT, xT):
    mesh = plsc.VectorSubcoreMesh(core_axis_name="c", subcore_axis_name="s")
    f = pl.kernel(
        _sc_gather_body,
        out_type=jax.ShapeDtypeStruct((2 * HID, BATCH), jnp.float32),
        mesh=mesh,
        compiler_params=pltpu.CompilerParams(needs_layout_passes=False),
        scratch_types=[
            pltpu.VMEM((BATCH,), jnp.int32),
            pltpu.VMEM((VOC,), jnp.float32),
            pltpu.VMEM((OCHUNK,), jnp.float32),
            pltpu.VMEM((OCHUNK,), jnp.float32),
            pltpu.SemaphoreType.DMA,
        ],
    )
    return f(ptT, ntT, xT)


def _mlp_body(hT_ref, w1T_ref, b1_ref, w2_ref, b2_ref, out_ref):
    zT = jnp.dot(w1T_ref[...], hT_ref[...], preferred_element_type=jnp.float32)
    zT = jnp.maximum(zT + b1_ref[...], 0.0)
    out_ref[...] = jnp.sum(zT * w2_ref[...], axis=0) + b2_ref[0, 0]


def _mlp(hT, w1T, b1col, w2col, b2, block_cols=2048):
    grid = (BATCH // block_cols,)
    return pl.pallas_call(
        _mlp_body,
        grid=grid,
        in_specs=[
            pl.BlockSpec((2 * HID, block_cols), lambda i: (0, i)),
            pl.BlockSpec((16, 2 * HID), lambda i: (0, 0)),
            pl.BlockSpec((16, 1), lambda i: (0, 0)),
            pl.BlockSpec((16, 1), lambda i: (0, 0)),
            pl.BlockSpec((1, 1), lambda i: (0, 0)),
        ],
        out_specs=pl.BlockSpec((block_cols,), lambda i: (i,)),
        out_shape=jax.ShapeDtypeStruct((BATCH,), jnp.float32),
    )(hT, w1T, b1col, w2col, b2)


@jax.jit
def kernel(x, emb_proton, emb_neutron, W1, b1, W2, b2):
    hT = _sc_gather(emb_proton.T, emb_neutron.T, x.T)
    outT = _mlp(hT, W1.T, b1.reshape(16, 1), W2, b2.reshape(1, 1))
    return outT.reshape(BATCH, 1)

# --- scband reference (transcript-rebuilt; emitter-appended) ---
"""Pipeline reference for scband-basic-model-smaller-67310727463641 (READ-ONLY COPY).

The authoritative reference and input builder live on the scoring server;
editing this copy changes nothing except your own understanding.
"""

import jax, jax.numpy as jnp
import numpy as np

N_PROTONS = 100000
N_NEUTRONS = 100000
HIDDEN_DIM = 64
BATCH = 16384


def setup_inputs(seed: int = 0) -> dict:
    key = jax.random.key(seed)
    ks = jax.random.split(key, 7)
    x = jax.random.randint(ks[0], (BATCH, 2), 0, N_PROTONS, dtype=jnp.int32)
    # embedding tables initialized uniform(-1, 1) as in the torch module
    emb_proton = jax.random.uniform(ks[1], (N_PROTONS, HIDDEN_DIM), dtype=jnp.float32, minval=-1.0, maxval=1.0)
    emb_neutron = jax.random.uniform(ks[2], (N_NEUTRONS, HIDDEN_DIM), dtype=jnp.float32, minval=-1.0, maxval=1.0)
    # Linear(2*hidden_dim -> 16): store as (in, out) so forward is h @ W1 + b1
    lim1 = 1.0 / np.sqrt(2 * HIDDEN_DIM)
    W1 = jax.random.uniform(ks[3], (2 * HIDDEN_DIM, 16), dtype=jnp.float32, minval=-lim1, maxval=lim1)
    b1 = jax.random.uniform(ks[4], (16,), dtype=jnp.float32, minval=-lim1, maxval=lim1)
    lim2 = 1.0 / np.sqrt(16)
    W2 = jax.random.uniform(ks[5], (16, 1), dtype=jnp.float32, minval=-lim2, maxval=lim2)
    b2 = jax.random.uniform(ks[6], (1,), dtype=jnp.float32, minval=-lim2, maxval=lim2)
    return {"x": x, "emb_proton": emb_proton, "emb_neutron": emb_neutron, "W1": W1, "b1": b1, "W2": W2, "b2": b2}


def reference(x, emb_proton, emb_neutron, W1, b1, W2, b2):
    # gather rows from the two embedding tables (SparseCore-style lookups)
    proton = jnp.take(emb_proton, x[:, 0], axis=0)    # [B, hidden_dim]
    neutron = jnp.take(emb_neutron, x[:, 1], axis=0)  # [B, hidden_dim]
    h = jnp.concatenate([proton, neutron], axis=1)    # torch.hstack -> [B, 2*hidden_dim]
    h = jnp.maximum(h @ W1 + b1, 0.0)                 # Linear + ReLU
    out = h @ W2 + b2                                 # Linear -> [B, 1]
    return out

if __name__ == "__main__":
    import jax
    _d = setup_inputs()
    print(jax.jit(kernel)(*tuple(_d.values())))

</pallas_src>

<mosaic_0001>
#map = affine_map<(d0, d1) -> (0, 0)>
module attributes {stable_mosaic.version = 14 : i64} {
  func.func @_sc_gather_body(%arg0: i32, %arg1: i32, %arg2: memref<64x100000xf32, #tpu.memory_space<hbm>>, %arg3: memref<64x100000xf32, #tpu.memory_space<hbm>>, %arg4: memref<2x16384xi32, #tpu.memory_space<hbm>>, %arg5: memref<128x16384xf32, #tpu.memory_space<hbm>>, %arg6: memref<16384xi32, #tpu.memory_space<vmem>>, %arg7: memref<100000xf32, #tpu.memory_space<vmem>>, %arg8: memref<4096xf32, #tpu.memory_space<vmem>>, %arg9: memref<4096xf32, #tpu.memory_space<vmem>>, %arg10: memref<!tpu.dma_semaphore, #tpu.memory_space<semaphore_mem>>) attributes {dimension_semantics = [#tpu.dimension_semantics<core_parallel>, #tpu.dimension_semantics<subcore_parallel>], iteration_bounds = array<i64: 2, 16>, scalar_prefetch = 0 : i64, scratch_operands = 5 : i64, tpu.core_type = #tpu.core_type<sc_vector_subcore>, window_params = [{transform_indices = #map}, {transform_indices = #map}, {transform_indices = #map}, {transform_indices = #map}]} {
    %mul3A = arith.constant 2 : i32
    %mul3A_0 = arith.muli %arg1, %mul3A : i32
    %add3A = arith.addi %mul3A_0, %arg0 : i32
    %run_scoped3A = arith.constant 0 : i32
    "tpu.region"() ({
      %run_scoped3A_263 = tpu.sem_alloc : memref<!tpu.dma_semaphore, #tpu.memory_space<semaphore_mem>>
      %dma_start3A_264 = arith.constant 0 : i32
      %dma_start3A_265 = tpu.memref_slice %arg4[%run_scoped3A, %dma_start3A_264] : memref<2x16384xi32, #tpu.memory_space<hbm>> -> memref<1x16384xi32, #tpu.memory_space<hbm>>
      %dma_start3A_266 = tpu.memref_squeeze %dma_start3A_265 : memref<1x16384xi32, #tpu.memory_space<hbm>> -> memref<16384xi32, #tpu.memory_space<hbm>>
      %dma_start3A_267 = arith.constant 0 : i32
      %dma_start3A_268 = tpu.memref_slice %arg4[%run_scoped3A, %dma_start3A_267] : memref<2x16384xi32, #tpu.memory_space<hbm>> -> memref<1x16384xi32, #tpu.memory_space<hbm>>
      %dma_start3A_269 = tpu.memref_squeeze %dma_start3A_268 : memref<1x16384xi32, #tpu.memory_space<hbm>> -> memref<16384xi32, #tpu.memory_space<hbm>>
      tpu.enqueue_dma source(%dma_start3A_269 : memref<16384xi32, #tpu.memory_space<hbm>>) target(%arg6 : memref<16384xi32, #tpu.memory_space<vmem>>) target_semaphore(%run_scoped3A_263 : memref<!tpu.dma_semaphore, #tpu.memory_space<semaphore_mem>>)
      %dma_wait3A_270 = arith.constant 0 : i32
      %dma_wait3A_271 = tpu.memref_slice %arg4[%run_scoped3A, %dma_wait3A_270] : memref<2x16384xi32, #tpu.memory_space<hbm>> -> memref<1x16384xi32, #tpu.memory_space<hbm>>
      %dma_wait3A_272 = tpu.memref_squeeze %dma_wait3A_271 : memref<1x16384xi32, #tpu.memory_space<hbm>> -> memref<16384xi32, #tpu.memory_space<hbm>>
      %dma_wait3A_273 = arith.constant 0 : i32
      %dma_wait3A_274 = tpu.memref_slice %arg4[%run_scoped3A, %dma_wait3A_273] : memref<2x16384xi32, #tpu.memory_space<hbm>> -> memref<1x16384xi32, #tpu.memory_space<hbm>>
      %dma_wait3A_275 = tpu.memref_squeeze %dma_wait3A_274 : memref<1x16384xi32, #tpu.memory_space<hbm>> -> memref<16384xi32, #tpu.memory_space<hbm>>
      tpu.wait_dma2 semaphore(%run_scoped3A_263 : memref<!tpu.dma_semaphore, #tpu.memory_space<semaphore_mem>>) src(%dma_wait3A_275 : memref<16384xi32, #tpu.memory_space<hbm>>) dst(%arg6 : memref<16384xi32, #tpu.memory_space<vmem>>)
      tpu.yield
    }) : () -> ()
    %mul3A_1 = arith.constant 2 : i32
    %mul3A_2 = arith.muli %add3A, %mul3A_1 : i32
    %add3A_3 = arith.constant 0 : i32
    %add3A_4 = arith.addi %mul3A_2, %add3A_3 : i32
    "tpu.region"() ({
      %run_scoped3A_263 = tpu.sem_alloc : memref<!tpu.dma_semaphore, #tpu.memory_space<semaphore_mem>>
      %dma_start3A_264 = arith.constant 0 : i32
      %dma_start3A_265 = tpu.memref_slice %arg2[%add3A_4, %dma_start3A_264] : memref<64x100000xf32, #tpu.memory_space<hbm>> -> memref<1x100000xf32, #tpu.memory_space<hbm>>
      %dma_start3A_266 = tpu.memref_squeeze %dma_start3A_265 : memref<1x100000xf32, #tpu.memory_space<hbm>> -> memref<100000xf32, #tpu.memory_space<hbm>>
      %dma_start3A_267 = arith.constant 0 : i32
      %dma_start3A_268 = tpu.memref_slice %arg2[%add3A_4, %dma_start3A_267] : memref<64x100000xf32, #tpu.memory_space<hbm>> -> memref<1x100000xf32, #tpu.memory_space<hbm>>
      %dma_start3A_269 = tpu.memref_squeeze %dma_start3A_268 : memref<1x100000xf32, #tpu.memory_space<hbm>> -> memref<100000xf32, #tpu.memory_space<hbm>>
      tpu.enqueue_dma source(%dma_start3A_269 : memref<100000xf32, #tpu.memory_space<hbm>>) target(%arg7 : memref<100000xf32, #tpu.memory_space<vmem>>) target_semaphore(%run_scoped3A_263 : memref<!tpu.dma_semaphore, #tpu.memory_space<semaphore_mem>>)
      %dma_wait3A_270 = arith.constant 0 : i32
      %dma_wait3A_271 = tpu.memref_slice %arg2[%add3A_4, %dma_wait3A_270] : memref<64x100000xf32, #tpu.memory_space<hbm>> -> memref<1x100000xf32, #tpu.memory_space<hbm>>
      %dma_wait3A_272 = tpu.memref_squeeze %dma_wait3A_271 : memref<1x100000xf32, #tpu.memory_space<hbm>> -> memref<100000xf32, #tpu.memory_space<hbm>>
      %dma_wait3A_273 = arith.constant 0 : i32
      %dma_wait3A_274 = tpu.memref_slice %arg2[%add3A_4, %dma_wait3A_273] : memref<64x100000xf32, #tpu.memory_space<hbm>> -> memref<1x100000xf32, #tpu.memory_space<hbm>>
      %dma_wait3A_275 = tpu.memref_squeeze %dma_wait3A_274 : memref<1x100000xf32, #tpu.memory_space<hbm>> -> memref<100000xf32, #tpu.memory_space<hbm>>
      tpu.wait_dma2 semaphore(%run_scoped3A_263 : memref<!tpu.dma_semaphore, #tpu.memory_space<semaphore_mem>>) src(%dma_wait3A_275 : memref<100000xf32, #tpu.memory_space<hbm>>) dst(%arg7 : memref<100000xf32, #tpu.memory_space<vmem>>)
      tpu.yield
    }) : () -> ()
    %add3A_5 = arith.constant 0 : i32
    %add3A_6 = arith.addi %add3A_5, %add3A_4 : i32
    %parallel_loop3A = arith.constant 0 : i32
    %parallel_loop3A_7 = arith.constant 4096 : i32
    %parallel_loop3A_8 = arith.constant 16 : i32
    scf.for %parallel_loop3A_263 = %parallel_loop3A to %parallel_loop3A_7 step %parallel_loop3A_8  : i32 {
      %parallel_loop3A_264 = arith.constant 0 : i32
      %parallel_loop3A_265 = arith.addi %parallel_loop3A_264, %parallel_loop3A_263 : i32
      %parallel_loop3A_266 = arith.index_cast %parallel_loop3A_265 : i32 to index
      %parallel_loop3A_267 = tpu.vector_load %arg6[%parallel_loop3A_266] {strides = array<i32>} : memref<16384xi32, #tpu.memory_space<vmem>>, vector<16xi32>,
      %parallel_loop3A_268 = tpu.vector_load_idx %arg7[%parallel_loop3A_267] : memref<100000xf32, #tpu.memory_space<vmem>>[vector<16xi32>], vector<16xf32>,
      %parallel_loop3A_269 = arith.index_cast %parallel_loop3A_263 : i32 to index
      %parallel_loop3A_270 = tpu.vector_load %arg8[%parallel_loop3A_269] {strides = array<i32>} : memref<4096xf32, #tpu.memory_space<vmem>>, vector<16xf32>,
      tpu.vector_store %arg8[%parallel_loop3A_269], %parallel_loop3A_268 {strides = array<i32>} : memref<4096xf32, #tpu.memory_space<vmem>>, vector<16xf32>,
    } {sc.loop_unroll_factor = 8 : i64, sc.parallel_access}
    %dma_start3A = arith.constant 0 : i32
    %dma_start3A_9 = tpu.memref_slice %arg5[%add3A_6, %dma_start3A] : memref<128x16384xf32, #tpu.memory_space<hbm>> -> memref<1x4096xf32, #tpu.memory_space<hbm>>
    %dma_start3A_10 = tpu.memref_squeeze %dma_start3A_9 : memref<1x4096xf32, #tpu.memory_space<hbm>> -> memref<4096xf32, #tpu.memory_space<hbm>>
    %dma_start3A_11 = arith.constant 0 : i32
    %dma_start3A_12 = tpu.memref_slice %arg5[%add3A_6, %dma_start3A_11] : memref<128x16384xf32, #tpu.memory_space<hbm>> -> memref<1x4096xf32, #tpu.memory_space<hbm>>
    %dma_start3A_13 = tpu.memref_squeeze %dma_start3A_12 : memref<1x4096xf32, #tpu.memory_space<hbm>> -> memref<4096xf32, #tpu.memory_space<hbm>>
    tpu.enqueue_dma source(%arg8 : memref<4096xf32, #tpu.memory_space<vmem>>) target(%dma_start3A_13 : memref<4096xf32, #tpu.memory_space<hbm>>) target_semaphore(%arg10 : memref<!tpu.dma_semaphore, #tpu.memory_space<semaphore_mem>>)
    %parallel_loop3A_14 = arith.constant 0 : i32
    %parallel_loop3A_15 = arith.constant 4096 : i32
    %parallel_loop3A_16 = arith.constant 16 : i32
    scf.for %parallel_loop3A_263 = %parallel_loop3A_14 to %parallel_loop3A_15 step %parallel_loop3A_16  : i32 {
      %parallel_loop3A_264 = arith.constant 4096 : i32
      %parallel_loop3A_265 = arith.addi %parallel_loop3A_264, %parallel_loop3A_263 : i32
      %parallel_loop3A_266 = arith.index_cast %parallel_loop3A_265 : i32 to index
      %parallel_loop3A_267 = tpu.vector_load %arg6[%parallel_loop3A_266] {strides = array<i32>} : memref<16384xi32, #tpu.memory_space<vmem>>, vector<16xi32>,
      %parallel_loop3A_268 = tpu.vector_load_idx %arg7[%parallel_loop3A_267] : memref<100000xf32, #tpu.memory_space<vmem>>[vector<16xi32>], vector<16xf32>,
      %parallel_loop3A_269 = arith.index_cast %parallel_loop3A_263 : i32 to index
      %parallel_loop3A_270 = tpu.vector_load %arg9[%parallel_loop3A_269] {strides = array<i32>} : memref<4096xf32, #tpu.memory_space<vmem>>, vector<16xf32>,
      tpu.vector_store %arg9[%parallel_loop3A_269], %parallel_loop3A_268 {strides = array<i32>} : memref<4096xf32, #tpu.memory_space<vmem>>, vector<16xf32>,
    } {sc.loop_unroll_factor = 8 : i64, sc.parallel_access}
    %dma_start3A_17 = arith.constant 4096 : i32
    %dma_start3A_18 = tpu.memref_slice %arg5[%add3A_6, %dma_start3A_17] : memref<128x16384xf32, #tpu.memory_space<hbm>> -> memref<1x4096xf32, #tpu.memory_space<hbm>>
    %dma_start3A_19 = tpu.memref_squeeze %dma_start3A_18 : memref<1x4096xf32, #tpu.memory_space<hbm>> -> memref<4096xf32, #tpu.memory_space<hbm>>
    %dma_start3A_20 = arith.constant 4096 : i32
    %dma_start3A_21 = tpu.memref_slice %arg5[%add3A_6, %dma_start3A_20] : memref<128x16384xf32, #tpu.memory_space<hbm>> -> memref<1x4096xf32, #tpu.memory_space<hbm>>
    %dma_start3A_22 = tpu.memref_squeeze %dma_start3A_21 : memref<1x4096xf32, #tpu.memory_space<hbm>> -> memref<4096xf32, #tpu.memory_space<hbm>>
    tpu.enqueue_dma source(%arg9 : memref<4096xf32, #tpu.memory_space<vmem>>) target(%dma_start3A_22 : memref<4096xf32, #tpu.memory_space<hbm>>) target_semaphore(%arg10 : memref<!tpu.dma_semaphore, #tpu.memory_space<semaphore_mem>>)
    %dma_wait3A = arith.constant 0 : i32
    %dma_wait3A_23 = tpu.memref_slice %arg5[%add3A_6, %dma_wait3A] : memref<128x16384xf32, #tpu.memory_space<hbm>> -> memref<1x4096xf32, #tpu.memory_space<hbm>>
    %dma_wait3A_24 = tpu.memref_squeeze %dma_wait3A_23 : memref<1x4096xf32, #tpu.memory_space<hbm>> -> memref<4096xf32, #tpu.memory_space<hbm>>
    %dma_wait3A_25 = arith.constant 0 : i32
    %dma_wait3A_26 = tpu.memref_slice %arg5[%add3A_6, %dma_wait3A_25] : memref<128x16384xf32, #tpu.memory_space<hbm>> -> memref<1x4096xf32, #tpu.memory_space<hbm>>
    %dma_wait3A_27 = tpu.memref_squeeze %dma_wait3A_26 : memref<1x4096xf32, #tpu.memory_space<hbm>> -> memref<4096xf32, #tpu.memory_space<hbm>>
    tpu.wait_dma2 semaphore(%arg10 : memref<!tpu.dma_semaphore, #tpu.memory_space<semaphore_mem>>) src(%arg8 : memref<4096xf32, #tpu.memory_space<vmem>>) dst(%dma_wait3A_27 : memref<4096xf32, #tpu.memory_space<hbm>>)
    %parallel_loop3A_28 = arith.constant 0 : i32
    %parallel_loop3A_29 = arith.constant 4096 : i32
    %parallel_loop3A_30 = arith.constant 16 : i32
    scf.for %parallel_loop3A_263 = %parallel_loop3A_28 to %parallel_loop3A_29 step %parallel_loop3A_30  : i32 {
      %parallel_loop3A_264 = arith.constant 8192 : i32
      %parallel_loop3A_265 = arith.addi %parallel_loop3A_264, %parallel_loop3A_263 : i32
      %parallel_loop3A_266 = arith.index_cast %parallel_loop3A_265 : i32 to index
      %parallel_loop3A_267 = tpu.vector_load %arg6[%parallel_loop3A_266] {strides = array<i32>} : memref<16384xi32, #tpu.memory_space<vmem>>, vector<16xi32>,
      %parallel_loop3A_268 = tpu.vector_load_idx %arg7[%parallel_loop3A_267] : memref<100000xf32, #tpu.memory_space<vmem>>[vector<16xi32>], vector<16xf32>,
      %parallel_loop3A_269 = arith.index_cast %parallel_loop3A_263 : i32 to index
      %parallel_loop3A_270 = tpu.vector_load %arg8[%parallel_loop3A_269] {strides = array<i32>} : memref<4096xf32, #tpu.memory_space<vmem>>, vector<16xf32>,
      tpu.vector_store %arg8[%parallel_loop3A_269], %parallel_loop3A_268 {strides = array<i32>} : memref<4096xf32, #tpu.memory_space<vmem>>, vector<16xf32>,
    } {sc.loop_unroll_factor = 8 : i64, sc.parallel_access}
    %dma_start3A_31 = arith.constant 8192 : i32
    %dma_start3A_32 = tpu.memref_slice %arg5[%add3A_6, %dma_start3A_31] : memref<128x16384xf32, #tpu.memory_space<hbm>> -> memref<1x4096xf32, #tpu.memory_space<hbm>>
    %dma_start3A_33 = tpu.memref_squeeze %dma_start3A_32 : memref<1x4096xf32, #tpu.memory_space<hbm>> -> memref<4096xf32, #tpu.memory_space<hbm>>
    %dma_start3A_34 = arith.constant 8192 : i32
    %dma_start3A_35 = tpu.memref_slice %arg5[%add3A_6, %dma_start3A_34] : memref<128x16384xf32, #tpu.memory_space<hbm>> -> memref<1x4096xf32, #tpu.memory_space<hbm>>
    %dma_start3A_36 = tpu.memref_squeeze %dma_start3A_35 : memref<1x4096xf32, #tpu.memory_space<hbm>> -> memref<4096xf32, #tpu.memory_space<hbm>>
    tpu.enqueue_dma source(%arg8 : memref<4096xf32, #tpu.memory_space<vmem>>) target(%dma_start3A_36 : memref<4096xf32, #tpu.memory_space<hbm>>) target_semaphore(%arg10 : memref<!tpu.dma_semaphore, #tpu.memory_space<semaphore_mem>>)
    %dma_wait3A_37 = arith.constant 4096 : i32
    %dma_wait3A_38 = tpu.memref_slice %arg5[%add3A_6, %dma_wait3A_37] : memref<128x16384xf32, #tpu.memory_space<hbm>> -> memref<1x4096xf32, #tpu.memory_space<hbm>>
    %dma_wait3A_39 = tpu.memref_squeeze %dma_wait3A_38 : memref<1x4096xf32, #tpu.memory_space<hbm>> -> memref<4096xf32, #tpu.memory_space<hbm>>
    %dma_wait3A_40 = arith.constant 4096 : i32
    %dma_wait3A_41 = tpu.memref_slice %arg5[%add3A_6, %dma_wait3A_40] : memref<128x16384xf32, #tpu.memory_space<hbm>> -> memref<1x4096xf32, #tpu.memory_space<hbm>>
    %dma_wait3A_42 = tpu.memref_squeeze %dma_wait3A_41 : memref<1x4096xf32, #tpu.memory_space<hbm>> -> memref<4096xf32, #tpu.memory_space<hbm>>
    tpu.wait_dma2 semaphore(%arg10 : memref<!tpu.dma_semaphore, #tpu.memory_space<semaphore_mem>>) src(%arg9 : memref<4096xf32, #tpu.memory_space<vmem>>) dst(%dma_wait3A_42 : memref<4096xf32, #tpu.memory_space<hbm>>)
    %parallel_loop3A_43 = arith.constant 0 : i32
    %parallel_loop3A_44 = arith.constant 4096 : i32
    %parallel_loop3A_45 = arith.constant 16 : i32
    scf.for %parallel_loop3A_263 = %parallel_loop3A_43 to %parallel_loop3A_44 step %parallel_loop3A_45  : i32 {
      %parallel_loop3A_264 = arith.constant 12288 : i32
      %parallel_loop3A_265 = arith.addi %parallel_loop3A_264, %parallel_loop3A_263 : i32
      %parallel_loop3A_266 = arith.index_cast %parallel_loop3A_265 : i32 to index
      %parallel_loop3A_267 = tpu.vector_load %arg6[%parallel_loop3A_266] {strides = array<i32>} : memref<16384xi32, #tpu.memory_space<vmem>>, vector<16xi32>,
      %parallel_loop3A_268 = tpu.vector_load_idx %arg7[%parallel_loop3A_267] : memref<100000xf32, #tpu.memory_space<vmem>>[vector<16xi32>], vector<16xf32>,
      %parallel_loop3A_269 = arith.index_cast %parallel_loop3A_263 : i32 to index
      %parallel_loop3A_270 = tpu.vector_load %arg9[%parallel_loop3A_269] {strides = array<i32>} : memref<4096xf32, #tpu.memory_space<vmem>>, vector<16xf32>,
      tpu.vector_store %arg9[%parallel_loop3A_269], %parallel_loop3A_268 {strides = array<i32>} : memref<4096xf32, #tpu.memory_space<vmem>>, vector<16xf32>,
    } {sc.loop_unroll_factor = 8 : i64, sc.parallel_access}
    %dma_start3A_46 = arith.constant 12288 : i32
    %dma_start3A_47 = tpu.memref_slice %arg5[%add3A_6, %dma_start3A_46] : memref<128x16384xf32, #tpu.memory_space<hbm>> -> memref<1x4096xf32, #tpu.memory_space<hbm>>
    %dma_start3A_48 = tpu.memref_squeeze %dma_start3A_47 : memref<1x4096xf32, #tpu.memory_space<hbm>> -> memref<4096xf32, #tpu.memory_space<hbm>>
    %dma_start3A_49 = arith.constant 12288 : i32
    %dma_start3A_50 = tpu.memref_slice %arg5[%add3A_6, %dma_start3A_49] : memref<128x16384xf32, #tpu.memory_space<hbm>> -> memref<1x4096xf32, #tpu.memory_space<hbm>>
    %dma_start3A_51 = tpu.memref_squeeze %dma_start3A_50 : memref<1x4096xf32, #tpu.memory_space<hbm>> -> memref<4096xf32, #tpu.memory_space<hbm>>
    tpu.enqueue_dma source(%arg9 : memref<4096xf32, #tpu.memory_space<vmem>>) target(%dma_start3A_51 : memref<4096xf32, #tpu.memory_space<hbm>>) target_semaphore(%arg10 : memref<!tpu.dma_semaphore, #tpu.memory_space<semaphore_mem>>)
    %dma_wait3A_52 = arith.constant 8192 : i32
    %dma_wait3A_53 = tpu.memref_slice %arg5[%add3A_6, %dma_wait3A_52] : memref<128x16384xf32, #tpu.memory_space<hbm>> -> memref<1x4096xf32, #tpu.memory_space<hbm>>
    %dma_wait3A_54 = tpu.memref_squeeze %dma_wait3A_53 : memref<1x4096xf32, #tpu.memory_space<hbm>> -> memref<4096xf32, #tpu.memory_space<hbm>>
    %dma_wait3A_55 = arith.constant 8192 : i32
    %dma_wait3A_56 = tpu.memref_slice %arg5[%add3A_6, %dma_wait3A_55] : memref<128x16384xf32, #tpu.memory_space<hbm>> -> memref<1x4096xf32, #tpu.memory_space<hbm>>
    %dma_wait3A_57 = tpu.memref_squeeze %dma_wait3A_56 : memref<1x4096xf32, #tpu.memory_space<hbm>> -> memref<4096xf32, #tpu.memory_space<hbm>>
    tpu.wait_dma2 semaphore(%arg10 : memref<!tpu.dma_semaphore, #tpu.memory_space<semaphore_mem>>) src(%arg8 : memref<4096xf32, #tpu.memory_space<vmem>>) dst(%dma_wait3A_57 : memref<4096xf32, #tpu.memory_space<hbm>>)
    %dma_wait3A_58 = arith.constant 12288 : i32
    %dma_wait3A_59 = tpu.memref_slice %arg5[%add3A_6, %dma_wait3A_58] : memref<128x16384xf32, #tpu.memory_space<hbm>> -> memref<1x4096xf32, #tpu.memory_space<hbm>>
    %dma_wait3A_60 = tpu.memref_squeeze %dma_wait3A_59 : memref<1x4096xf32, #tpu.memory_space<hbm>> -> memref<4096xf32, #tpu.memory_space<hbm>>
    %dma_wait3A_61 = arith.constant 12288 : i32
    %dma_wait3A_62 = tpu.memref_slice %arg5[%add3A_6, %dma_wait3A_61] : memref<128x16384xf32, #tpu.memory_space<hbm>> -> memref<1x4096xf32, #tpu.memory_space<hbm>>
    %dma_wait3A_63 = tpu.memref_squeeze %dma_wait3A_62 : memref<1x4096xf32, #tpu.memory_space<hbm>> -> memref<4096xf32, #tpu.memory_space<hbm>>
    tpu.wait_dma2 semaphore(%arg10 : memref<!tpu.dma_semaphore, #tpu.memory_space<semaphore_mem>>) src(%arg9 : memref<4096xf32, #tpu.memory_space<vmem>>) dst(%dma_wait3A_63 : memref<4096xf32, #tpu.memory_space<hbm>>)
    %mul3A_64 = arith.constant 2 : i32
    %mul3A_65 = arith.muli %add3A, %mul3A_64 : i32
    %add3A_66 = arith.constant 1 : i32
    %add3A_67 = arith.addi %mul3A_65, %add3A_66 : i32
    "tpu.region"() ({
      %run_scoped3A_263 = tpu.sem_alloc : memref<!tpu.dma_semaphore, #tpu.memory_space<semaphore_mem>>
      %dma_start3A_264 = arith.constant 0 : i32
      %dma_start3A_265 = tpu.memref_slice %arg2[%add3A_67, %dma_start3A_264] : memref<64x100000xf32, #tpu.memory_space<hbm>> -> memref<1x100000xf32, #tpu.memory_space<hbm>>
      %dma_start3A_266 = tpu.memref_squeeze %dma_start3A_265 : memref<1x100000xf32, #tpu.memory_space<hbm>> -> memref<100000xf32, #tpu.memory_space<hbm>>
      %dma_start3A_267 = arith.constant 0 : i32
      %dma_start3A_268 = tpu.memref_slice %arg2[%add3A_67, %dma_start3A_267] : memref<64x100000xf32, #tpu.memory_space<hbm>> -> memref<1x100000xf32, #tpu.memory_space<hbm>>
      %dma_start3A_269 = tpu.memref_squeeze %dma_start3A_268 : memref<1x100000xf32, #tpu.memory_space<hbm>> -> memref<100000xf32, #tpu.memory_space<hbm>>
      tpu.enqueue_dma source(%dma_start3A_269 : memref<100000xf32, #tpu.memory_space<hbm>>) target(%arg7 : memref<100000xf32, #tpu.memory_space<vmem>>) target_semaphore(%run_scoped3A_263 : memref<!tpu.dma_semaphore, #tpu.memory_space<semaphore_mem>>)
      %dma_wait3A_270 = arith.constant 0 : i32
      %dma_wait3A_271 = tpu.memref_slice %arg2[%add3A_67, %dma_wait3A_270] : memref<64x100000xf32, #tpu.memory_space<hbm>> -> memref<1x100000xf32, #tpu.memory_space<hbm>>
      %dma_wait3A_272 = tpu.memref_squeeze %dma_wait3A_271 : memref<1x100000xf32, #tpu.memory_space<hbm>> -> memref<100000xf32, #tpu.memory_space<hbm>>
      %dma_wait3A_273 = arith.constant 0 : i32
      %dma_wait3A_274 = tpu.memref_slice %arg2[%add3A_67, %dma_wait3A_273] : memref<64x100000xf32, #tpu.memory_space<hbm>> -> memref<1x100000xf32, #tpu.memory_space<hbm>>
      %dma_wait3A_275 = tpu.memref_squeeze %dma_wait3A_274 : memref<1x100000xf32, #tpu.memory_space<hbm>> -> memref<100000xf32, #tpu.memory_space<hbm>>
      tpu.wait_dma2 semaphore(%run_scoped3A_263 : memref<!tpu.dma_semaphore, #tpu.memory_space<semaphore_mem>>) src(%dma_wait3A_275 : memref<100000xf32, #tpu.memory_space<hbm>>) dst(%arg7 : memref<100000xf32, #tpu.memory_space<vmem>>)
      tpu.yield
    }) : () -> ()
    %add3A_68 = arith.constant 0 : i32
    %add3A_69 = arith.addi %add3A_68, %add3A_67 : i32
    %parallel_loop3A_70 = arith.constant 0 : i32
    %parallel_loop3A_71 = arith.constant 4096 : i32
    %parallel_loop3A_72 = arith.constant 16 : i32
    scf.for %parallel_loop3A_263 = %parallel_loop3A_70 to %parallel_loop3A_71 step %parallel_loop3A_72  : i32 {
      %parallel_loop3A_264 = arith.constant 0 : i32
      %parallel_loop3A_265 = arith.addi %parallel_loop3A_264, %parallel_loop3A_263 : i32
      %parallel_loop3A_266 = arith.index_cast %parallel_loop3A_265 : i32 to index
      %parallel_loop3A_267 = tpu.vector_load %arg6[%parallel_loop3A_266] {strides = array<i32>} : memref<16384xi32, #tpu.memory_space<vmem>>, vector<16xi32>,
      %parallel_loop3A_268 = tpu.vector_load_idx %arg7[%parallel_loop3A_267] : memref<100000xf32, #tpu.memory_space<vmem>>[vector<16xi32>], vector<16xf32>,
      %parallel_loop3A_269 = arith.index_cast %parallel_loop3A_263 : i32 to index
      %parallel_loop3A_270 = tpu.vector_load %arg8[%parallel_loop3A_269] {strides = array<i32>} : memref<4096xf32, #tpu.memory_space<vmem>>, vector<16xf32>,
      tpu.vector_store %arg8[%parallel_loop3A_269], %parallel_loop3A_268 {strides = array<i32>} : memref<4096xf32, #tpu.memory_space<vmem>>, vector<16xf32>,
    } {sc.loop_unroll_factor = 8 : i64, sc.parallel_access}
    %dma_start3A_73 = arith.constant 0 : i32
    %dma_start3A_74 = tpu.memref_slice %arg5[%add3A_69, %dma_start3A_73] : memref<128x16384xf32, #tpu.memory_space<hbm>> -> memref<1x4096xf32, #tpu.memory_space<hbm>>
    %dma_start3A_75 = tpu.memref_squeeze %dma_start3A_74 : memref<1x4096xf32, #tpu.memory_space<hbm>> -> memref<4096xf32, #tpu.memory_space<hbm>>
    %dma_start3A_76 = arith.constant 0 : i32
    %dma_start3A_77 = tpu.memref_slice %arg5[%add3A_69, %dma_start3A_76] : memref<128x16384xf32, #tpu.memory_space<hbm>> -> memref<1x4096xf32, #tpu.memory_space<hbm>>
    %dma_start3A_78 = tpu.memref_squeeze %dma_start3A_77 : memref<1x4096xf32, #tpu.memory_space<hbm>> -> memref<4096xf32, #tpu.memory_space<hbm>>
    tpu.enqueue_dma source(%arg8 : memref<4096xf32, #tpu.memory_space<vmem>>) target(%dma_start3A_78 : memref<4096xf32, #tpu.memory_space<hbm>>) target_semaphore(%arg10 : memref<!tpu.dma_semaphore, #tpu.memory_space<semaphore_mem>>)
    %parallel_loop3A_79 = arith.constant 0 : i32
    %parallel_loop3A_80 = arith.constant 4096 : i32
    %parallel_loop3A_81 = arith.constant 16 : i32
    scf.for %parallel_loop3A_263 = %parallel_loop3A_79 to %parallel_loop3A_80 step %parallel_loop3A_81  : i32 {
      %parallel_loop3A_264 = arith.constant 4096 : i32
      %parallel_loop3A_265 = arith.addi %parallel_loop3A_264, %parallel_loop3A_263 : i32
      %parallel_loop3A_266 = arith.index_cast %parallel_loop3A_265 : i32 to index
      %parallel_loop3A_267 = tpu.vector_load %arg6[%parallel_loop3A_266] {strides = array<i32>} : memref<16384xi32, #tpu.memory_space<vmem>>, vector<16xi32>,
      %parallel_loop3A_268 = tpu.vector_load_idx %arg7[%parallel_loop3A_267] : memref<100000xf32, #tpu.memory_space<vmem>>[vector<16xi32>], vector<16xf32>,
      %parallel_loop3A_269 = arith.index_cast %parallel_loop3A_263 : i32 to index
      %parallel_loop3A_270 = tpu.vector_load %arg9[%parallel_loop3A_269] {strides = array<i32>} : memref<4096xf32, #tpu.memory_space<vmem>>, vector<16xf32>,
      tpu.vector_store %arg9[%parallel_loop3A_269], %parallel_loop3A_268 {strides = array<i32>} : memref<4096xf32, #tpu.memory_space<vmem>>, vector<16xf32>,
    } {sc.loop_unroll_factor = 8 : i64, sc.parallel_access}
    %dma_start3A_82 = arith.constant 4096 : i32
    %dma_start3A_83 = tpu.memref_slice %arg5[%add3A_69, %dma_start3A_82] : memref<128x16384xf32, #tpu.memory_space<hbm>> -> memref<1x4096xf32, #tpu.memory_space<hbm>>
    %dma_start3A_84 = tpu.memref_squeeze %dma_start3A_83 : memref<1x4096xf32, #tpu.memory_space<hbm>> -> memref<4096xf32, #tpu.memory_space<hbm>>
    %dma_start3A_85 = arith.constant 4096 : i32
    %dma_start3A_86 = tpu.memref_slice %arg5[%add3A_69, %dma_start3A_85] : memref<128x16384xf32, #tpu.memory_space<hbm>> -> memref<1x4096xf32, #tpu.memory_space<hbm>>
    %dma_start3A_87 = tpu.memref_squeeze %dma_start3A_86 : memref<1x4096xf32, #tpu.memory_space<hbm>> -> memref<4096xf32, #tpu.memory_space<hbm>>
    tpu.enqueue_dma source(%arg9 : memref<4096xf32, #tpu.memory_space<vmem>>) target(%dma_start3A_87 : memref<4096xf32, #tpu.memory_space<hbm>>) target_semaphore(%arg10 : memref<!tpu.dma_semaphore, #tpu.memory_space<semaphore_mem>>)
    %dma_wait3A_88 = arith.constant 0 : i32
    %dma_wait3A_89 = tpu.memref_slice %arg5[%add3A_69, %dma_wait3A_88] : memref<128x16384xf32, #tpu.memory_space<hbm>> -> memref<1x4096xf32, #tpu.memory_space<hbm>>
    %dma_wait3A_90 = tpu.memref_squeeze %dma_wait3A_89 : memref<1x4096xf32, #tpu.memory_space<hbm>> -> memref<4096xf32, #tpu.memory_space<hbm>>
    %dma_wait3A_91 = arith.constant 0 : i32
    %dma_wait3A_92 = tpu.memref_slice %arg5[%add3A_69, %dma_wait3A_91] : memref<128x16384xf32, #tpu.memory_space<hbm>> -> memref<1x4096xf32, #tpu.memory_space<hbm>>
    %dma_wait3A_93 = tpu.memref_squeeze %dma_wait3A_92 : memref<1x4096xf32, #tpu.memory_space<hbm>> -> memref<4096xf32, #tpu.memory_space<hbm>>
    tpu.wait_dma2 semaphore(%arg10 : memref<!tpu.dma_semaphore, #tpu.memory_space<semaphore_mem>>) src(%arg8 : memref<4096xf32, #tpu.memory_space<vmem>>) dst(%dma_wait3A_93 : memref<4096xf32, #tpu.memory_space<hbm>>)
    %parallel_loop3A_94 = arith.constant 0 : i32
    %parallel_loop3A_95 = arith.constant 4096 : i32
    %parallel_loop3A_96 = arith.constant 16 : i32
    scf.for %parallel_loop3A_263 = %parallel_loop3A_94 to %parallel_loop3A_95 step %parallel_loop3A_96  : i32 {
      %parallel_loop3A_264 = arith.constant 8192 : i32
      %parallel_loop3A_265 = arith.addi %parallel_loop3A_264, %parallel_loop3A_263 : i32
      %parallel_loop3A_266 = arith.index_cast %parallel_loop3A_265 : i32 to index
      %parallel_loop3A_267 = tpu.vector_load %arg6[%parallel_loop3A_266] {strides = array<i32>} : memref<16384xi32, #tpu.memory_space<vmem>>, vector<16xi32>,
      %parallel_loop3A_268 = tpu.vector_load_idx %arg7[%parallel_loop3A_267] : memref<100000xf32, #tpu.memory_space<vmem>>[vector<16xi32>], vector<16xf32>,
      %parallel_loop3A_269 = arith.index_cast %parallel_loop3A_263 : i32 to index
      %parallel_loop3A_270 = tpu.vector_load %arg8[%parallel_loop3A_269] {strides = array<i32>} : memref<4096xf32, #tpu.memory_space<vmem>>, vector<16xf32>,
      tpu.vector_store %arg8[%parallel_loop3A_269], %parallel_loop3A_268 {strides = array<i32>} : memref<4096xf32, #tpu.memory_space<vmem>>, vector<16xf32>,
    } {sc.loop_unroll_factor = 8 : i64, sc.parallel_access}
    %dma_start3A_97 = arith.constant 8192 : i32
    %dma_start3A_98 = tpu.memref_slice %arg5[%add3A_69, %dma_start3A_97] : memref<128x16384xf32, #tpu.memory_space<hbm>> -> memref<1x4096xf32, #tpu.memory_space<hbm>>
    %dma_start3A_99 = tpu.memref_squeeze %dma_start3A_98 : memref<1x4096xf32, #tpu.memory_space<hbm>> -> memref<4096xf32, #tpu.memory_space<hbm>>
    %dma_start3A_100 = arith.constant 8192 : i32
    %dma_start3A_101 = tpu.memref_slice %arg5[%add3A_69, %dma_start3A_100] : memref<128x16384xf32, #tpu.memory_space<hbm>> -> memref<1x4096xf32, #tpu.memory_space<hbm>>
    %dma_start3A_102 = tpu.memref_squeeze %dma_start3A_101 : memref<1x4096xf32, #tpu.memory_space<hbm>> -> memref<4096xf32, #tpu.memory_space<hbm>>
    tpu.enqueue_dma source(%arg8 : memref<4096xf32, #tpu.memory_space<vmem>>) target(%dma_start3A_102 : memref<4096xf32, #tpu.memory_space<hbm>>) target_semaphore(%arg10 : memref<!tpu.dma_semaphore, #tpu.memory_space<semaphore_mem>>)
    %dma_wait3A_103 = arith.constant 4096 : i32
    %dma_wait3A_104 = tpu.memref_slice %arg5[%add3A_69, %dma_wait3A_103] : memref<128x16384xf32, #tpu.memory_space<hbm>> -> memref<1x4096xf32, #tpu.memory_space<hbm>>
    %dma_wait3A_105 = tpu.memref_squeeze %dma_wait3A_104 : memref<1x4096xf32, #tpu.memory_space<hbm>> -> memref<4096xf32, #tpu.memory_space<hbm>>
    %dma_wait3A_106 = arith.constant 4096 : i32
    %dma_wait3A_107 = tpu.memref_slice %arg5[%add3A_69, %dma_wait3A_106] : memref<128x16384xf32, #tpu.memory_space<hbm>> -> memref<1x4096xf32, #tpu.memory_space<hbm>>
    %dma_wait3A_108 = tpu.memref_squeeze %dma_wait3A_107 : memref<1x4096xf32, #tpu.memory_space<hbm>> -> memref<4096xf32, #tpu.memory_space<hbm>>
    tpu.wait_dma2 semaphore(%arg10 : memref<!tpu.dma_semaphore, #tpu.memory_space<semaphore_mem>>) src(%arg9 : memref<4096xf32, #tpu.memory_space<vmem>>) dst(%dma_wait3A_108 : memref<4096xf32, #tpu.memory_space<hbm>>)
    %parallel_loop3A_109 = arith.constant 0 : i32
    %parallel_loop3A_110 = arith.constant 4096 : i32
    %parallel_loop3A_111 = arith.constant 16 : i32
    scf.for %parallel_loop3A_263 = %parallel_loop3A_109 to %parallel_loop3A_110 step %parallel_loop3A_111  : i32 {
      %parallel_loop3A_264 = arith.constant 12288 : i32
      %parallel_loop3A_265 = arith.addi %parallel_loop3A_264, %parallel_loop3A_263 : i32
      %parallel_loop3A_266 = arith.index_cast %parallel_loop3A_265 : i32 to index
      %parallel_loop3A_267 = tpu.vector_load %arg6[%parallel_loop3A_266] {strides = array<i32>} : memref<16384xi32, #tpu.memory_space<vmem>>, vector<16xi32>,
      %parallel_loop3A_268 = tpu.vector_load_idx %arg7[%parallel_loop3A_267] : memref<100000xf32, #tpu.memory_space<vmem>>[vector<16xi32>], vector<16xf32>,
      %parallel_loop3A_269 = arith.index_cast %parallel_loop3A_263 : i32 to index
      %parallel_loop3A_270 = tpu.vector_load %arg9[%parallel_loop3A_269] {strides = array<i32>} : memref<4096xf32, #tpu.memory_space<vmem>>, vector<16xf32>,
      tpu.vector_store %arg9[%parallel_loop3A_269], %parallel_loop3A_268 {strides = array<i32>} : memref<4096xf32, #tpu.memory_space<vmem>>, vector<16xf32>,
    } {sc.loop_unroll_factor = 8 : i64, sc.parallel_access}
    %dma_start3A_112 = arith.constant 12288 : i32
    %dma_start3A_113 = tpu.memref_slice %arg5[%add3A_69, %dma_start3A_112] : memref<128x16384xf32, #tpu.memory_space<hbm>> -> memref<1x4096xf32, #tpu.memory_space<hbm>>
    %dma_start3A_114 = tpu.memref_squeeze %dma_start3A_113 : memref<1x4096xf32, #tpu.memory_space<hbm>> -> memref<4096xf32, #tpu.memory_space<hbm>>
    %dma_start3A_115 = arith.constant 12288 : i32
    %dma_start3A_116 = tpu.memref_slice %arg5[%add3A_69, %dma_start3A_115] : memref<128x16384xf32, #tpu.memory_space<hbm>> -> memref<1x4096xf32, #tpu.memory_space<hbm>>
    %dma_start3A_117 = tpu.memref_squeeze %dma_start3A_116 : memref<1x4096xf32, #tpu.memory_space<hbm>> -> memref<4096xf32, #tpu.memory_space<hbm>>
    tpu.enqueue_dma source(%arg9 : memref<4096xf32, #tpu.memory_space<vmem>>) target(%dma_start3A_117 : memref<4096xf32, #tpu.memory_space<hbm>>) target_semaphore(%arg10 : memref<!tpu.dma_semaphore, #tpu.memory_space<semaphore_mem>>)
    %dma_wait3A_118 = arith.constant 8192 : i32
    %dma_wait3A_119 = tpu.memref_slice %arg5[%add3A_69, %dma_wait3A_118] : memref<128x16384xf32, #tpu.memory_space<hbm>> -> memref<1x4096xf32, #tpu.memory_space<hbm>>
    %dma_wait3A_120 = tpu.memref_squeeze %dma_wait3A_119 : memref<1x4096xf32, #tpu.memory_space<hbm>> -> memref<4096xf32, #tpu.memory_space<hbm>>
    %dma_wait3A_121 = arith.constant 8192 : i32
    %dma_wait3A_122 = tpu.memref_slice %arg5[%add3A_69, %dma_wait3A_121] : memref<128x16384xf32, #tpu.memory_space<hbm>> -> memref<1x4096xf32, #tpu.memory_space<hbm>>
    %dma_wait3A_123 = tpu.memref_squeeze %dma_wait3A_122 : memref<1x4096xf32, #tpu.memory_space<hbm>> -> memref<4096xf32, #tpu.memory_space<hbm>>
    tpu.wait_dma2 semaphore(%arg10 : memref<!tpu.dma_semaphore, #tpu.memory_space<semaphore_mem>>) src(%arg8 : memref<4096xf32, #tpu.memory_space<vmem>>) dst(%dma_wait3A_123 : memref<4096xf32, #tpu.memory_space<hbm>>)
    %dma_wait3A_124 = arith.constant 12288 : i32
    %dma_wait3A_125 = tpu.memref_slice %arg5[%add3A_69, %dma_wait3A_124] : memref<128x16384xf32, #tpu.memory_space<hbm>> -> memref<1x4096xf32, #tpu.memory_space<hbm>>
    %dma_wait3A_126 = tpu.memref_squeeze %dma_wait3A_125 : memref<1x4096xf32, #tpu.memory_space<hbm>> -> memref<4096xf32, #tpu.memory_space<hbm>>
    %dma_wait3A_127 = arith.constant 12288 : i32
    %dma_wait3A_128 = tpu.memref_slice %arg5[%add3A_69, %dma_wait3A_127] : memref<128x16384xf32, #tpu.memory_space<hbm>> -> memref<1x4096xf32, #tpu.memory_space<hbm>>
    %dma_wait3A_129 = tpu.memref_squeeze %dma_wait3A_128 : memref<1x4096xf32, #tpu.memory_space<hbm>> -> memref<4096xf32, #tpu.memory_space<hbm>>
    tpu.wait_dma2 semaphore(%arg10 : memref<!tpu.dma_semaphore, #tpu.memory_space<semaphore_mem>>) src(%arg9 : memref<4096xf32, #tpu.memory_space<vmem>>) dst(%dma_wait3A_129 : memref<4096xf32, #tpu.memory_space<hbm>>)
    %run_scoped3A_130 = arith.constant 1 : i32
    "tpu.region"() ({
      %run_scoped3A_263 = tpu.sem_alloc : memref<!tpu.dma_semaphore, #tpu.memory_space<semaphore_mem>>
      %dma_start3A_264 = arith.constant 0 : i32
      %dma_start3A_265 = tpu.memref_slice %arg4[%run_scoped3A_130, %dma_start3A_264] : memref<2x16384xi32, #tpu.memory_space<hbm>> -> memref<1x16384xi32, #tpu.memory_space<hbm>>
      %dma_start3A_266 = tpu.memref_squeeze %dma_start3A_265 : memref<1x16384xi32, #tpu.memory_space<hbm>> -> memref<16384xi32, #tpu.memory_space<hbm>>
      %dma_start3A_267 = arith.constant 0 : i32
      %dma_start3A_268 = tpu.memref_slice %arg4[%run_scoped3A_130, %dma_start3A_267] : memref<2x16384xi32, #tpu.memory_space<hbm>> -> memref<1x16384xi32, #tpu.memory_space<hbm>>
      %dma_start3A_269 = tpu.memref_squeeze %dma_start3A_268 : memref<1x16384xi32, #tpu.memory_space<hbm>> -> memref<16384xi32, #tpu.memory_space<hbm>>
      tpu.enqueue_dma source(%dma_start3A_269 : memref<16384xi32, #tpu.memory_space<hbm>>) target(%arg6 : memref<16384xi32, #tpu.memory_space<vmem>>) target_semaphore(%run_scoped3A_263 : memref<!tpu.dma_semaphore, #tpu.memory_space<semaphore_mem>>)
      %dma_wait3A_270 = arith.constant 0 : i32
      %dma_wait3A_271 = tpu.memref_slice %arg4[%run_scoped3A_130, %dma_wait3A_270] : memref<2x16384xi32, #tpu.memory_space<hbm>> -> memref<1x16384xi32, #tpu.memory_space<hbm>>
      %dma_wait3A_272 = tpu.memref_squeeze %dma_wait3A_271 : memref<1x16384xi32, #tpu.memory_space<hbm>> -> memref<16384xi32, #tpu.memory_space<hbm>>
      %dma_wait3A_273 = arith.constant 0 : i32
      %dma_wait3A_274 = tpu.memref_slice %arg4[%run_scoped3A_130, %dma_wait3A_273] : memref<2x16384xi32, #tpu.memory_space<hbm>> -> memref<1x16384xi32, #tpu.memory_space<hbm>>
      %dma_wait3A_275 = tpu.memref_squeeze %dma_wait3A_274 : memref<1x16384xi32, #tpu.memory_space<hbm>> -> memref<16384xi32, #tpu.memory_space<hbm>>
      tpu.wait_dma2 semaphore(%run_scoped3A_263 : memref<!tpu.dma_semaphore, #tpu.memory_space<semaphore_mem>>) src(%dma_wait3A_275 : memref<16384xi32, #tpu.memory_space<hbm>>) dst(%arg6 : memref<16384xi32, #tpu.memory_space<vmem>>)
      tpu.yield
    }) : () -> ()
    %mul3A_131 = arith.constant 2 : i32
    %mul3A_132 = arith.muli %add3A, %mul3A_131 : i32
    %add3A_133 = arith.constant 0 : i32
    %add3A_134 = arith.addi %mul3A_132, %add3A_133 : i32
    "tpu.region"() ({
      %run_scoped3A_263 = tpu.sem_alloc : memref<!tpu.dma_semaphore, #tpu.memory_space<semaphore_mem>>
      %dma_start3A_264 = arith.constant 0 : i32
      %dma_start3A_265 = tpu.memref_slice %arg3[%add3A_134, %dma_start3A_264] : memref<64x100000xf32, #tpu.memory_space<hbm>> -> memref<1x100000xf32, #tpu.memory_space<hbm>>
      %dma_start3A_266 = tpu.memref_squeeze %dma_start3A_265 : memref<1x100000xf32, #tpu.memory_space<hbm>> -> memref<100000xf32, #tpu.memory_space<hbm>>
      %dma_start3A_267 = arith.constant 0 : i32
      %dma_start3A_268 = tpu.memref_slice %arg3[%add3A_134, %dma_start3A_267] : memref<64x100000xf32, #tpu.memory_space<hbm>> -> memref<1x100000xf32, #tpu.memory_space<hbm>>
      %dma_start3A_269 = tpu.memref_squeeze %dma_start3A_268 : memref<1x100000xf32, #tpu.memory_space<hbm>> -> memref<100000xf32, #tpu.memory_space<hbm>>
      tpu.enqueue_dma source(%dma_start3A_269 : memref<100000xf32, #tpu.memory_space<hbm>>) target(%arg7 : memref<100000xf32, #tpu.memory_space<vmem>>) target_semaphore(%run_scoped3A_263 : memref<!tpu.dma_semaphore, #tpu.memory_space<semaphore_mem>>)
      %dma_wait3A_270 = arith.constant 0 : i32
      %dma_wait3A_271 = tpu.memref_slice %arg3[%add3A_134, %dma_wait3A_270] : memref<64x100000xf32, #tpu.memory_space<hbm>> -> memref<1x100000xf32, #tpu.memory_space<hbm>>
      %dma_wait3A_272 = tpu.memref_squeeze %dma_wait3A_271 : memref<1x100000xf32, #tpu.memory_space<hbm>> -> memref<100000xf32, #tpu.memory_space<hbm>>
      %dma_wait3A_273 = arith.constant 0 : i32
      %dma_wait3A_274 = tpu.memref_slice %arg3[%add3A_134, %dma_wait3A_273] : memref<64x100000xf32, #tpu.memory_space<hbm>> -> memref<1x100000xf32, #tpu.memory_space<hbm>>
      %dma_wait3A_275 = tpu.memref_squeeze %dma_wait3A_274 : memref<1x100000xf32, #tpu.memory_space<hbm>> -> memref<100000xf32, #tpu.memory_space<hbm>>
      tpu.wait_dma2 semaphore(%run_scoped3A_263 : memref<!tpu.dma_semaphore, #tpu.memory_space<semaphore_mem>>) src(%dma_wait3A_275 : memref<100000xf32, #tpu.memory_space<hbm>>) dst(%arg7 : memref<100000xf32, #tpu.memory_space<vmem>>)
      tpu.yield
    }) : () -> ()
    %add3A_135 = arith.constant 64 : i32
    %add3A_136 = arith.addi %add3A_135, %add3A_134 : i32
    %parallel_loop3A_137 = arith.constant 0 : i32
    %parallel_loop3A_138 = arith.constant 4096 : i32
    %parallel_loop3A_139 = arith.constant 16 : i32
    scf.for %parallel_loop3A_263 = %parallel_loop3A_137 to %parallel_loop3A_138 step %parallel_loop3A_139  : i32 {
      %parallel_loop3A_264 = arith.constant 0 : i32
      %parallel_loop3A_265 = arith.addi %parallel_loop3A_264, %parallel_loop3A_263 : i32
      %parallel_loop3A_266 = arith.index_cast %parallel_loop3A_265 : i32 to index
      %parallel_loop3A_267 = tpu.vector_load %arg6[%parallel_loop3A_266] {strides = array<i32>} : memref<16384xi32, #tpu.memory_space<vmem>>, vector<16xi32>,
      %parallel_loop3A_268 = tpu.vector_load_idx %arg7[%parallel_loop3A_267] : memref<100000xf32, #tpu.memory_space<vmem>>[vector<16xi32>], vector<16xf32>,
      %parallel_loop3A_269 = arith.index_cast %parallel_loop3A_263 : i32 to index
      %parallel_loop3A_270 = tpu.vector_load %arg8[%parallel_loop3A_269] {strides = array<i32>} : memref<4096xf32, #tpu.memory_space<vmem>>, vector<16xf32>,
      tpu.vector_store %arg8[%parallel_loop3A_269], %parallel_loop3A_268 {strides = array<i32>} : memref<4096xf32, #tpu.memory_space<vmem>>, vector<16xf32>,
    } {sc.loop_unroll_factor = 8 : i64, sc.parallel_access}
    %dma_start3A_140 = arith.constant 0 : i32
    %dma_start3A_141 = tpu.memref_slice %arg5[%add3A_136, %dma_start3A_140] : memref<128x16384xf32, #tpu.memory_space<hbm>> -> memref<1x4096xf32, #tpu.memory_space<hbm>>
    %dma_start3A_142 = tpu.memref_squeeze %dma_start3A_141 : memref<1x4096xf32, #tpu.memory_space<hbm>> -> memref<4096xf32, #tpu.memory_space<hbm>>
    %dma_start3A_143 = arith.constant 0 : i32
    %dma_start3A_144 = tpu.memref_slice %arg5[%add3A_136, %dma_start3A_143] : memref<128x16384xf32, #tpu.memory_space<hbm>> -> memref<1x4096xf32, #tpu.memory_space<hbm>>
    %dma_start3A_145 = tpu.memref_squeeze %dma_start3A_144 : memref<1x4096xf32, #tpu.memory_space<hbm>> -> memref<4096xf32, #tpu.memory_space<hbm>>
    tpu.enqueue_dma source(%arg8 : memref<4096xf32, #tpu.memory_space<vmem>>) target(%dma_start3A_145 : memref<4096xf32, #tpu.memory_space<hbm>>) target_semaphore(%arg10 : memref<!tpu.dma_semaphore, #tpu.memory_space<semaphore_mem>>)
    %parallel_loop3A_146 = arith.constant 0 : i32
    %parallel_loop3A_147 = arith.constant 4096 : i32
    %parallel_loop3A_148 = arith.constant 16 : i32
    scf.for %parallel_loop3A_263 = %parallel_loop3A_146 to %parallel_loop3A_147 step %parallel_loop3A_148  : i32 {
      %parallel_loop3A_264 = arith.constant 4096 : i32
      %parallel_loop3A_265 = arith.addi %parallel_loop3A_264, %parallel_loop3A_263 : i32
      %parallel_loop3A_266 = arith.index_cast %parallel_loop3A_265 : i32 to index
      %parallel_loop3A_267 = tpu.vector_load %arg6[%parallel_loop3A_266] {strides = array<i32>} : memref<16384xi32, #tpu.memory_space<vmem>>, vector<16xi32>,
      %parallel_loop3A_268 = tpu.vector_load_idx %arg7[%parallel_loop3A_267] : memref<100000xf32, #tpu.memory_space<vmem>>[vector<16xi32>], vector<16xf32>,
      %parallel_loop3A_269 = arith.index_cast %parallel_loop3A_263 : i32 to index
      %parallel_loop3A_270 = tpu.vector_load %arg9[%parallel_loop3A_269] {strides = array<i32>} : memref<4096xf32, #tpu.memory_space<vmem>>, vector<16xf32>,
      tpu.vector_store %arg9[%parallel_loop3A_269], %parallel_loop3A_268 {strides = array<i32>} : memref<4096xf32, #tpu.memory_space<vmem>>, vector<16xf32>,
    } {sc.loop_unroll_factor = 8 : i64, sc.parallel_access}
    %dma_start3A_149 = arith.constant 4096 : i32
    %dma_start3A_150 = tpu.memref_slice %arg5[%add3A_136, %dma_start3A_149] : memref<128x16384xf32, #tpu.memory_space<hbm>> -> memref<1x4096xf32, #tpu.memory_space<hbm>>
    %dma_start3A_151 = tpu.memref_squeeze %dma_start3A_150 : memref<1x4096xf32, #tpu.memory_space<hbm>> -> memref<4096xf32, #tpu.memory_space<hbm>>
    %dma_start3A_152 = arith.constant 4096 : i32
    %dma_start3A_153 = tpu.memref_slice %arg5[%add3A_136, %dma_start3A_152] : memref<128x16384xf32, #tpu.memory_space<hbm>> -> memref<1x4096xf32, #tpu.memory_space<hbm>>
    %dma_start3A_154 = tpu.memref_squeeze %dma_start3A_153 : memref<1x4096xf32, #tpu.memory_space<hbm>> -> memref<4096xf32, #tpu.memory_space<hbm>>
    tpu.enqueue_dma source(%arg9 : memref<4096xf32, #tpu.memory_space<vmem>>) target(%dma_start3A_154 : memref<4096xf32, #tpu.memory_space<hbm>>) target_semaphore(%arg10 : memref<!tpu.dma_semaphore, #tpu.memory_space<semaphore_mem>>)
    %dma_wait3A_155 = arith.constant 0 : i32
    %dma_wait3A_156 = tpu.memref_slice %arg5[%add3A_136, %dma_wait3A_155] : memref<128x16384xf32, #tpu.memory_space<hbm>> -> memref<1x4096xf32, #tpu.memory_space<hbm>>
    %dma_wait3A_157 = tpu.memref_squeeze %dma_wait3A_156 : memref<1x4096xf32, #tpu.memory_space<hbm>> -> memref<4096xf32, #tpu.memory_space<hbm>>
    %dma_wait3A_158 = arith.constant 0 : i32
    %dma_wait3A_159 = tpu.memref_slice %arg5[%add3A_136, %dma_wait3A_158] : memref<128x16384xf32, #tpu.memory_space<hbm>> -> memref<1x4096xf32, #tpu.memory_space<hbm>>
    %dma_wait3A_160 = tpu.memref_squeeze %dma_wait3A_159 : memref<1x4096xf32, #tpu.memory_space<hbm>> -> memref<4096xf32, #tpu.memory_space<hbm>>
    tpu.wait_dma2 semaphore(%arg10 : memref<!tpu.dma_semaphore, #tpu.memory_space<semaphore_mem>>) src(%arg8 : memref<4096xf32, #tpu.memory_space<vmem>>) dst(%dma_wait3A_160 : memref<4096xf32, #tpu.memory_space<hbm>>)
    %parallel_loop3A_161 = arith.constant 0 : i32
    %parallel_loop3A_162 = arith.constant 4096 : i32
    %parallel_loop3A_163 = arith.constant 16 : i32
    scf.for %parallel_loop3A_263 = %parallel_loop3A_161 to %parallel_loop3A_162 step %parallel_loop3A_163  : i32 {
      %parallel_loop3A_264 = arith.constant 8192 : i32
      %parallel_loop3A_265 = arith.addi %parallel_loop3A_264, %parallel_loop3A_263 : i32
      %parallel_loop3A_266 = arith.index_cast %parallel_loop3A_265 : i32 to index
      %parallel_loop3A_267 = tpu.vector_load %arg6[%parallel_loop3A_266] {strides = array<i32>} : memref<16384xi32, #tpu.memory_space<vmem>>, vector<16xi32>,
      %parallel_loop3A_268 = tpu.vector_load_idx %arg7[%parallel_loop3A_267] : memref<100000xf32, #tpu.memory_space<vmem>>[vector<16xi32>], vector<16xf32>,
      %parallel_loop3A_269 = arith.index_cast %parallel_loop3A_263 : i32 to index
      %parallel_loop3A_270 = tpu.vector_load %arg8[%parallel_loop3A_269] {strides = array<i32>} : memref<4096xf32, #tpu.memory_space<vmem>>, vector<16xf32>,
      tpu.vector_store %arg8[%parallel_loop3A_269], %parallel_loop3A_268 {strides = array<i32>} : memref<4096xf32, #tpu.memory_space<vmem>>, vector<16xf32>,
    } {sc.loop_unroll_factor = 8 : i64, sc.parallel_access}
    %dma_start3A_164 = arith.constant 8192 : i32
    %dma_start3A_165 = tpu.memref_slice %arg5[%add3A_136, %dma_start3A_164] : memref<128x16384xf32, #tpu.memory_space<hbm>> -> memref<1x4096xf32, #tpu.memory_space<hbm>>
    %dma_start3A_166 = tpu.memref_squeeze %dma_start3A_165 : memref<1x4096xf32, #tpu.memory_space<hbm>> -> memref<4096xf32, #tpu.memory_space<hbm>>
    %dma_start3A_167 = arith.constant 8192 : i32
    %dma_start3A_168 = tpu.memref_slice %arg5[%add3A_136, %dma_start3A_167] : memref<128x16384xf32, #tpu.memory_space<hbm>> -> memref<1x4096xf32, #tpu.memory_space<hbm>>
    %dma_start3A_169 = tpu.memref_squeeze %dma_start3A_168 : memref<1x4096xf32, #tpu.memory_space<hbm>> -> memref<4096xf32, #tpu.memory_space<hbm>>
    tpu.enqueue_dma source(%arg8 : memref<4096xf32, #tpu.memory_space<vmem>>) target(%dma_start3A_169 : memref<4096xf32, #tpu.memory_space<hbm>>) target_semaphore(%arg10 : memref<!tpu.dma_semaphore, #tpu.memory_space<semaphore_mem>>)
    %dma_wait3A_170 = arith.constant 4096 : i32
    %dma_wait3A_171 = tpu.memref_slice %arg5[%add3A_136, %dma_wait3A_170] : memref<128x16384xf32, #tpu.memory_space<hbm>> -> memref<1x4096xf32, #tpu.memory_space<hbm>>
    %dma_wait3A_172 = tpu.memref_squeeze %dma_wait3A_171 : memref<1x4096xf32, #tpu.memory_space<hbm>> -> memref<4096xf32, #tpu.memory_space<hbm>>
    %dma_wait3A_173 = arith.constant 4096 : i32
    %dma_wait3A_174 = tpu.memref_slice %arg5[%add3A_136, %dma_wait3A_173] : memref<128x16384xf32, #tpu.memory_space<hbm>> -> memref<1x4096xf32, #tpu.memory_space<hbm>>
    %dma_wait3A_175 = tpu.memref_squeeze %dma_wait3A_174 : memref<1x4096xf32, #tpu.memory_space<hbm>> -> memref<4096xf32, #tpu.memory_space<hbm>>
    tpu.wait_dma2 semaphore(%arg10 : memref<!tpu.dma_semaphore, #tpu.memory_space<semaphore_mem>>) src(%arg9 : memref<4096xf32, #tpu.memory_space<vmem>>) dst(%dma_wait3A_175 : memref<4096xf32, #tpu.memory_space<hbm>>)
    %parallel_loop3A_176 = arith.constant 0 : i32
    %parallel_loop3A_177 = arith.constant 4096 : i32
    %parallel_loop3A_178 = arith.constant 16 : i32
    scf.for %parallel_loop3A_263 = %parallel_loop3A_176 to %parallel_loop3A_177 step %parallel_loop3A_178  : i32 {
      %parallel_loop3A_264 = arith.constant 12288 : i32
      %parallel_loop3A_265 = arith.addi %parallel_loop3A_264, %parallel_loop3A_263 : i32
      %parallel_loop3A_266 = arith.index_cast %parallel_loop3A_265 : i32 to index
      %parallel_loop3A_267 = tpu.vector_load %arg6[%parallel_loop3A_266] {strides = array<i32>} : memref<16384xi32, #tpu.memory_space<vmem>>, vector<16xi32>,
      %parallel_loop3A_268 = tpu.vector_load_idx %arg7[%parallel_loop3A_267] : memref<100000xf32, #tpu.memory_space<vmem>>[vector<16xi32>], vector<16xf32>,
      %parallel_loop3A_269 = arith.index_cast %parallel_loop3A_263 : i32 to index
      %parallel_loop3A_270 = tpu.vector_load %arg9[%parallel_loop3A_269] {strides = array<i32>} : memref<4096xf32, #tpu.memory_space<vmem>>, vector<16xf32>,
      tpu.vector_store %arg9[%parallel_loop3A_269], %parallel_loop3A_268 {strides = array<i32>} : memref<4096xf32, #tpu.memory_space<vmem>>, vector<16xf32>,
    } {sc.loop_unroll_factor = 8 : i64, sc.parallel_access}
    %dma_start3A_179 = arith.constant 12288 : i32
    %dma_start3A_180 = tpu.memref_slice %arg5[%add3A_136, %dma_start3A_179] : memref<128x16384xf32, #tpu.memory_space<hbm>> -> memref<1x4096xf32, #tpu.memory_space<hbm>>
    %dma_start3A_181 = tpu.memref_squeeze %dma_start3A_180 : memref<1x4096xf32, #tpu.memory_space<hbm>> -> memref<4096xf32, #tpu.memory_space<hbm>>
    %dma_start3A_182 = arith.constant 12288 : i32
    %dma_start3A_183 = tpu.memref_slice %arg5[%add3A_136, %dma_start3A_182] : memref<128x16384xf32, #tpu.memory_space<hbm>> -> memref<1x4096xf32, #tpu.memory_space<hbm>>
    %dma_start3A_184 = tpu.memref_squeeze %dma_start3A_183 : memref<1x4096xf32, #tpu.memory_space<hbm>> -> memref<4096xf32, #tpu.memory_space<hbm>>
    tpu.enqueue_dma source(%arg9 : memref<4096xf32, #tpu.memory_space<vmem>>) target(%dma_start3A_184 : memref<4096xf32, #tpu.memory_space<hbm>>) target_semaphore(%arg10 : memref<!tpu.dma_semaphore, #tpu.memory_space<semaphore_mem>>)
    %dma_wait3A_185 = arith.constant 8192 : i32
    %dma_wait3A_186 = tpu.memref_slice %arg5[%add3A_136, %dma_wait3A_185] : memref<128x16384xf32, #tpu.memory_space<hbm>> -> memref<1x4096xf32, #tpu.memory_space<hbm>>
    %dma_wait3A_187 = tpu.memref_squeeze %dma_wait3A_186 : memref<1x4096xf32, #tpu.memory_space<hbm>> -> memref<4096xf32, #tpu.memory_space<hbm>>
    %dma_wait3A_188 = arith.constant 8192 : i32
    %dma_wait3A_189 = tpu.memref_slice %arg5[%add3A_136, %dma_wait3A_188] : memref<128x16384xf32, #tpu.memory_space<hbm>> -> memref<1x4096xf32, #tpu.memory_space<hbm>>
    %dma_wait3A_190 = tpu.memref_squeeze %dma_wait3A_189 : memref<1x4096xf32, #tpu.memory_space<hbm>> -> memref<4096xf32, #tpu.memory_space<hbm>>
    tpu.wait_dma2 semaphore(%arg10 : memref<!tpu.dma_semaphore, #tpu.memory_space<semaphore_mem>>) src(%arg8 : memref<4096xf32, #tpu.memory_space<vmem>>) dst(%dma_wait3A_190 : memref<4096xf32, #tpu.memory_space<hbm>>)
    %dma_wait3A_191 = arith.constant 12288 : i32
    %dma_wait3A_192 = tpu.memref_slice %arg5[%add3A_136, %dma_wait3A_191] : memref<128x16384xf32, #tpu.memory_space<hbm>> -> memref<1x4096xf32, #tpu.memory_space<hbm>>
    %dma_wait3A_193 = tpu.memref_squeeze %dma_wait3A_192 : memref<1x4096xf32, #tpu.memory_space<hbm>> -> memref<4096xf32, #tpu.memory_space<hbm>>
    %dma_wait3A_194 = arith.constant 12288 : i32
    %dma_wait3A_195 = tpu.memref_slice %arg5[%add3A_136, %dma_wait3A_194] : memref<128x16384xf32, #tpu.memory_space<hbm>> -> memref<1x4096xf32, #tpu.memory_space<hbm>>
    %dma_wait3A_196 = tpu.memref_squeeze %dma_wait3A_195 : memref<1x4096xf32, #tpu.memory_space<hbm>> -> memref<4096xf32, #tpu.memory_space<hbm>>
    tpu.wait_dma2 semaphore(%arg10 : memref<!tpu.dma_semaphore, #tpu.memory_space<semaphore_mem>>) src(%arg9 : memref<4096xf32, #tpu.memory_space<vmem>>) dst(%dma_wait3A_196 : memref<4096xf32, #tpu.memory_space<hbm>>)
    %mul3A_197 = arith.constant 2 : i32
    %mul3A_198 = arith.muli %add3A, %mul3A_197 : i32
    %add3A_199 = arith.constant 1 : i32
    %add3A_200 = arith.addi %mul3A_198, %add3A_199 : i32
    "tpu.region"() ({
      %run_scoped3A_263 = tpu.sem_alloc : memref<!tpu.dma_semaphore, #tpu.memory_space<semaphore_mem>>
      %dma_start3A_264 = arith.constant 0 : i32
      %dma_start3A_265 = tpu.memref_slice %arg3[%add3A_200, %dma_start3A_264] : memref<64x100000xf32, #tpu.memory_space<hbm>> -> memref<1x100000xf32, #tpu.memory_space<hbm>>
      %dma_start3A_266 = tpu.memref_squeeze %dma_start3A_265 : memref<1x100000xf32, #tpu.memory_space<hbm>> -> memref<100000xf32, #tpu.memory_space<hbm>>
      %dma_start3A_267 = arith.constant 0 : i32
      %dma_start3A_268 = tpu.memref_slice %arg3[%add3A_200, %dma_start3A_267] : memref<64x100000xf32, #tpu.memory_space<hbm>> -> memref<1x100000xf32, #tpu.memory_space<hbm>>
      %dma_start3A_269 = tpu.memref_squeeze %dma_start3A_268 : memref<1x100000xf32, #tpu.memory_space<hbm>> -> memref<100000xf32, #tpu.memory_space<hbm>>
      tpu.enqueue_dma source(%dma_start3A_269 : memref<100000xf32, #tpu.memory_space<hbm>>) target(%arg7 : memref<100000xf32, #tpu.memory_space<vmem>>) target_semaphore(%run_scoped3A_263 : memref<!tpu.dma_semaphore, #tpu.memory_space<semaphore_mem>>)
      %dma_wait3A_270 = arith.constant 0 : i32
      %dma_wait3A_271 = tpu.memref_slice %arg3[%add3A_200, %dma_wait3A_270] : memref<64x100000xf32, #tpu.memory_space<hbm>> -> memref<1x100000xf32, #tpu.memory_space<hbm>>
      %dma_wait3A_272 = tpu.memref_squeeze %dma_wait3A_271 : memref<1x100000xf32, #tpu.memory_space<hbm>> -> memref<100000xf32, #tpu.memory_space<hbm>>
      %dma_wait3A_273 = arith.constant 0 : i32
      %dma_wait3A_274 = tpu.memref_slice %arg3[%add3A_200, %dma_wait3A_273] : memref<64x100000xf32, #tpu.memory_space<hbm>> -> memref<1x100000xf32, #tpu.memory_space<hbm>>
      %dma_wait3A_275 = tpu.memref_squeeze %dma_wait3A_274 : memref<1x100000xf32, #tpu.memory_space<hbm>> -> memref<100000xf32, #tpu.memory_space<hbm>>
      tpu.wait_dma2 semaphore(%run_scoped3A_263 : memref<!tpu.dma_semaphore, #tpu.memory_space<semaphore_mem>>) src(%dma_wait3A_275 : memref<100000xf32, #tpu.memory_space<hbm>>) dst(%arg7 : memref<100000xf32, #tpu.memory_space<vmem>>)
      tpu.yield
    }) : () -> ()
    %add3A_201 = arith.constant 64 : i32
    %add3A_202 = arith.addi %add3A_201, %add3A_200 : i32
    %parallel_loop3A_203 = arith.constant 0 : i32
    %parallel_loop3A_204 = arith.constant 4096 : i32
    %parallel_loop3A_205 = arith.constant 16 : i32
    scf.for %parallel_loop3A_263 = %parallel_loop3A_203 to %parallel_loop3A_204 step %parallel_loop3A_205  : i32 {
      %parallel_loop3A_264 = arith.constant 0 : i32
      %parallel_loop3A_265 = arith.addi %parallel_loop3A_264, %parallel_loop3A_263 : i32
      %parallel_loop3A_266 = arith.index_cast %parallel_loop3A_265 : i32 to index
      %parallel_loop3A_267 = tpu.vector_load %arg6[%parallel_loop3A_266] {strides = array<i32>} : memref<16384xi32, #tpu.memory_space<vmem>>, vector<16xi32>,
      %parallel_loop3A_268 = tpu.vector_load_idx %arg7[%parallel_loop3A_267] : memref<100000xf32, #tpu.memory_space<vmem>>[vector<16xi32>], vector<16xf32>,
      %parallel_loop3A_269 = arith.index_cast %parallel_loop3A_263 : i32 to index
      %parallel_loop3A_270 = tpu.vector_load %arg8[%parallel_loop3A_269] {strides = array<i32>} : memref<4096xf32, #tpu.memory_space<vmem>>, vector<16xf32>,
      tpu.vector_store %arg8[%parallel_loop3A_269], %parallel_loop3A_268 {strides = array<i32>} : memref<4096xf32, #tpu.memory_space<vmem>>, vector<16xf32>,
    } {sc.loop_unroll_factor = 8 : i64, sc.parallel_access}
    %dma_start3A_206 = arith.constant 0 : i32
    %dma_start3A_207 = tpu.memref_slice %arg5[%add3A_202, %dma_start3A_206] : memref<128x16384xf32, #tpu.memory_space<hbm>> -> memref<1x4096xf32, #tpu.memory_space<hbm>>
    %dma_start3A_208 = tpu.memref_squeeze %dma_start3A_207 : memref<1x4096xf32, #tpu.memory_space<hbm>> -> memref<4096xf32, #tpu.memory_space<hbm>>
    %dma_start3A_209 = arith.constant 0 : i32
    %dma_start3A_210 = tpu.memref_slice %arg5[%add3A_202, %dma_start3A_209] : memref<128x16384xf32, #tpu.memory_space<hbm>> -> memref<1x4096xf32, #tpu.memory_space<hbm>>
    %dma_start3A_211 = tpu.memref_squeeze %dma_start3A_210 : memref<1x4096xf32, #tpu.memory_space<hbm>> -> memref<4096xf32, #tpu.memory_space<hbm>>
    tpu.enqueue_dma source(%arg8 : memref<4096xf32, #tpu.memory_space<vmem>>) target(%dma_start3A_211 : memref<4096xf32, #tpu.memory_space<hbm>>) target_semaphore(%arg10 : memref<!tpu.dma_semaphore, #tpu.memory_space<semaphore_mem>>)
    %parallel_loop3A_212 = arith.constant 0 : i32
    %parallel_loop3A_213 = arith.constant 4096 : i32
    %parallel_loop3A_214 = arith.constant 16 : i32
    scf.for %parallel_loop3A_263 = %parallel_loop3A_212 to %parallel_loop3A_213 step %parallel_loop3A_214  : i32 {
      %parallel_loop3A_264 = arith.constant 4096 : i32
      %parallel_loop3A_265 = arith.addi %parallel_loop3A_264, %parallel_loop3A_263 : i32
      %parallel_loop3A_266 = arith.index_cast %parallel_loop3A_265 : i32 to index
      %parallel_loop3A_267 = tpu.vector_load %arg6[%parallel_loop3A_266] {strides = array<i32>} : memref<16384xi32, #tpu.memory_space<vmem>>, vector<16xi32>,
      %parallel_loop3A_268 = tpu.vector_load_idx %arg7[%parallel_loop3A_267] : memref<100000xf32, #tpu.memory_space<vmem>>[vector<16xi32>], vector<16xf32>,
      %parallel_loop3A_269 = arith.index_cast %parallel_loop3A_263 : i32 to index
      %parallel_loop3A_270 = tpu.vector_load %arg9[%parallel_loop3A_269] {strides = array<i32>} : memref<4096xf32, #tpu.memory_space<vmem>>, vector<16xf32>,
      tpu.vector_store %arg9[%parallel_loop3A_269], %parallel_loop3A_268 {strides = array<i32>} : memref<4096xf32, #tpu.memory_space<vmem>>, vector<16xf32>,
    } {sc.loop_unroll_factor = 8 : i64, sc.parallel_access}
    %dma_start3A_215 = arith.constant 4096 : i32
    %dma_start3A_216 = tpu.memref_slice %arg5[%add3A_202, %dma_start3A_215] : memref<128x16384xf32, #tpu.memory_space<hbm>> -> memref<1x4096xf32, #tpu.memory_space<hbm>>
    %dma_start3A_217 = tpu.memref_squeeze %dma_start3A_216 : memref<1x4096xf32, #tpu.memory_space<hbm>> -> memref<4096xf32, #tpu.memory_space<hbm>>
    %dma_start3A_218 = arith.constant 4096 : i32
    %dma_start3A_219 = tpu.memref_slice %arg5[%add3A_202, %dma_start3A_218] : memref<128x16384xf32, #tpu.memory_space<hbm>> -> memref<1x4096xf32, #tpu.memory_space<hbm>>
    %dma_start3A_220 = tpu.memref_squeeze %dma_start3A_219 : memref<1x4096xf32, #tpu.memory_space<hbm>> -> memref<4096xf32, #tpu.memory_space<hbm>>
    tpu.enqueue_dma source(%arg9 : memref<4096xf32, #tpu.memory_space<vmem>>) target(%dma_start3A_220 : memref<4096xf32, #tpu.memory_space<hbm>>) target_semaphore(%arg10 : memref<!tpu.dma_semaphore, #tpu.memory_space<semaphore_mem>>)
    %dma_wait3A_221 = arith.constant 0 : i32
    %dma_wait3A_222 = tpu.memref_slice %arg5[%add3A_202, %dma_wait3A_221] : memref<128x16384xf32, #tpu.memory_space<hbm>> -> memref<1x4096xf32, #tpu.memory_space<hbm>>
    %dma_wait3A_223 = tpu.memref_squeeze %dma_wait3A_222 : memref<1x4096xf32, #tpu.memory_space<hbm>> -> memref<4096xf32, #tpu.memory_space<hbm>>
    %dma_wait3A_224 = arith.constant 0 : i32
    %dma_wait3A_225 = tpu.memref_slice %arg5[%add3A_202, %dma_wait3A_224] : memref<128x16384xf32, #tpu.memory_space<hbm>> -> memref<1x4096xf32, #tpu.memory_space<hbm>>
    %dma_wait3A_226 = tpu.memref_squeeze %dma_wait3A_225 : memref<1x4096xf32, #tpu.memory_space<hbm>> -> memref<4096xf32, #tpu.memory_space<hbm>>
    tpu.wait_dma2 semaphore(%arg10 : memref<!tpu.dma_semaphore, #tpu.memory_space<semaphore_mem>>) src(%arg8 : memref<4096xf32, #tpu.memory_space<vmem>>) dst(%dma_wait3A_226 : memref<4096xf32, #tpu.memory_space<hbm>>)
    %parallel_loop3A_227 = arith.constant 0 : i32
    %parallel_loop3A_228 = arith.constant 4096 : i32
    %parallel_loop3A_229 = arith.constant 16 : i32
    scf.for %parallel_loop3A_263 = %parallel_loop3A_227 to %parallel_loop3A_228 step %parallel_loop3A_229  : i32 {
      %parallel_loop3A_264 = arith.constant 8192 : i32
      %parallel_loop3A_265 = arith.addi %parallel_loop3A_264, %parallel_loop3A_263 : i32
      %parallel_loop3A_266 = arith.index_cast %parallel_loop3A_265 : i32 to index
      %parallel_loop3A_267 = tpu.vector_load %arg6[%parallel_loop3A_266] {strides = array<i32>} : memref<16384xi32, #tpu.memory_space<vmem>>, vector<16xi32>,
      %parallel_loop3A_268 = tpu.vector_load_idx %arg7[%parallel_loop3A_267] : memref<100000xf32, #tpu.memory_space<vmem>>[vector<16xi32>], vector<16xf32>,
      %parallel_loop3A_269 = arith.index_cast %parallel_loop3A_263 : i32 to index
      %parallel_loop3A_270 = tpu.vector_load %arg8[%parallel_loop3A_269] {strides = array<i32>} : memref<4096xf32, #tpu.memory_space<vmem>>, vector<16xf32>,
      tpu.vector_store %arg8[%parallel_loop3A_269], %parallel_loop3A_268 {strides = array<i32>} : memref<4096xf32, #tpu.memory_space<vmem>>, vector<16xf32>,
    } {sc.loop_unroll_factor = 8 : i64, sc.parallel_access}
    %dma_start3A_230 = arith.constant 8192 : i32
    %dma_start3A_231 = tpu.memref_slice %arg5[%add3A_202, %dma_start3A_230] : memref<128x16384xf32, #tpu.memory_space<hbm>> -> memref<1x4096xf32, #tpu.memory_space<hbm>>
    %dma_start3A_232 = tpu.memref_squeeze %dma_start3A_231 : memref<1x4096xf32, #tpu.memory_space<hbm>> -> memref<4096xf32, #tpu.memory_space<hbm>>
    %dma_start3A_233 = arith.constant 8192 : i32
    %dma_start3A_234 = tpu.memref_slice %arg5[%add3A_202, %dma_start3A_233] : memref<128x16384xf32, #tpu.memory_space<hbm>> -> memref<1x4096xf32, #tpu.memory_space<hbm>>
    %dma_start3A_235 = tpu.memref_squeeze %dma_start3A_234 : memref<1x4096xf32, #tpu.memory_space<hbm>> -> memref<4096xf32, #tpu.memory_space<hbm>>
    tpu.enqueue_dma source(%arg8 : memref<4096xf32, #tpu.memory_space<vmem>>) target(%dma_start3A_235 : memref<4096xf32, #tpu.memory_space<hbm>>) target_semaphore(%arg10 : memref<!tpu.dma_semaphore, #tpu.memory_space<semaphore_mem>>)
    %dma_wait3A_236 = arith.constant 4096 : i32
    %dma_wait3A_237 = tpu.memref_slice %arg5[%add3A_202, %dma_wait3A_236] : memref<128x16384xf32, #tpu.memory_space<hbm>> -> memref<1x4096xf32, #tpu.memory_space<hbm>>
    %dma_wait3A_238 = tpu.memref_squeeze %dma_wait3A_237 : memref<1x4096xf32, #tpu.memory_space<hbm>> -> memref<4096xf32, #tpu.memory_space<hbm>>
    %dma_wait3A_239 = arith.constant 4096 : i32
    %dma_wait3A_240 = tpu.memref_slice %arg5[%add3A_202, %dma_wait3A_239] : memref<128x16384xf32, #tpu.memory_space<hbm>> -> memref<1x4096xf32, #tpu.memory_space<hbm>>
    %dma_wait3A_241 = tpu.memref_squeeze %dma_wait3A_240 : memref<1x4096xf32, #tpu.memory_space<hbm>> -> memref<4096xf32, #tpu.memory_space<hbm>>
    tpu.wait_dma2 semaphore(%arg10 : memref<!tpu.dma_semaphore, #tpu.memory_space<semaphore_mem>>) src(%arg9 : memref<4096xf32, #tpu.memory_space<vmem>>) dst(%dma_wait3A_241 : memref<4096xf32, #tpu.memory_space<hbm>>)
    %parallel_loop3A_242 = arith.constant 0 : i32
    %parallel_loop3A_243 = arith.constant 4096 : i32
    %parallel_loop3A_244 = arith.constant 16 : i32
    scf.for %parallel_loop3A_263 = %parallel_loop3A_242 to %parallel_loop3A_243 step %parallel_loop3A_244  : i32 {
      %parallel_loop3A_264 = arith.constant 12288 : i32
      %parallel_loop3A_265 = arith.addi %parallel_loop3A_264, %parallel_loop3A_263 : i32
      %parallel_loop3A_266 = arith.index_cast %parallel_loop3A_265 : i32 to index
      %parallel_loop3A_267 = tpu.vector_load %arg6[%parallel_loop3A_266] {strides = array<i32>} : memref<16384xi32, #tpu.memory_space<vmem>>, vector<16xi32>,
      %parallel_loop3A_268 = tpu.vector_load_idx %arg7[%parallel_loop3A_267] : memref<100000xf32, #tpu.memory_space<vmem>>[vector<16xi32>], vector<16xf32>,
      %parallel_loop3A_269 = arith.index_cast %parallel_loop3A_263 : i32 to index
      %parallel_loop3A_270 = tpu.vector_load %arg9[%parallel_loop3A_269] {strides = array<i32>} : memref<4096xf32, #tpu.memory_space<vmem>>, vector<16xf32>,
      tpu.vector_store %arg9[%parallel_loop3A_269], %parallel_loop3A_268 {strides = array<i32>} : memref<4096xf32, #tpu.memory_space<vmem>>, vector<16xf32>,
    } {sc.loop_unroll_factor = 8 : i64, sc.parallel_access}
    %dma_start3A_245 = arith.constant 12288 : i32
    %dma_start3A_246 = tpu.memref_slice %arg5[%add3A_202, %dma_start3A_245] : memref<128x16384xf32, #tpu.memory_space<hbm>> -> memref<1x4096xf32, #tpu.memory_space<hbm>>
    %dma_start3A_247 = tpu.memref_squeeze %dma_start3A_246 : memref<1x4096xf32, #tpu.memory_space<hbm>> -> memref<4096xf32, #tpu.memory_space<hbm>>
    %dma_start3A_248 = arith.constant 12288 : i32
    %dma_start3A_249 = tpu.memref_slice %arg5[%add3A_202, %dma_start3A_248] : memref<128x16384xf32, #tpu.memory_space<hbm>> -> memref<1x4096xf32, #tpu.memory_space<hbm>>
    %dma_start3A_250 = tpu.memref_squeeze %dma_start3A_249 : memref<1x4096xf32, #tpu.memory_space<hbm>> -> memref<4096xf32, #tpu.memory_space<hbm>>
    tpu.enqueue_dma source(%arg9 : memref<4096xf32, #tpu.memory_space<vmem>>) target(%dma_start3A_250 : memref<4096xf32, #tpu.memory_space<hbm>>) target_semaphore(%arg10 : memref<!tpu.dma_semaphore, #tpu.memory_space<semaphore_mem>>)
    %dma_wait3A_251 = arith.constant 8192 : i32
    %dma_wait3A_252 = tpu.memref_slice %arg5[%add3A_202, %dma_wait3A_251] : memref<128x16384xf32, #tpu.memory_space<hbm>> -> memref<1x4096xf32, #tpu.memory_space<hbm>>
    %dma_wait3A_253 = tpu.memref_squeeze %dma_wait3A_252 : memref<1x4096xf32, #tpu.memory_space<hbm>> -> memref<4096xf32, #tpu.memory_space<hbm>>
    %dma_wait3A_254 = arith.constant 8192 : i32
    %dma_wait3A_255 = tpu.memref_slice %arg5[%add3A_202, %dma_wait3A_254] : memref<128x16384xf32, #tpu.memory_space<hbm>> -> memref<1x4096xf32, #tpu.memory_space<hbm>>
    %dma_wait3A_256 = tpu.memref_squeeze %dma_wait3A_255 : memref<1x4096xf32, #tpu.memory_space<hbm>> -> memref<4096xf32, #tpu.memory_space<hbm>>
    tpu.wait_dma2 semaphore(%arg10 : memref<!tpu.dma_semaphore, #tpu.memory_space<semaphore_mem>>) src(%arg8 : memref<4096xf32, #tpu.memory_space<vmem>>) dst(%dma_wait3A_256 : memref<4096xf32, #tpu.memory_space<hbm>>)
    %dma_wait3A_257 = arith.constant 12288 : i32
    %dma_wait3A_258 = tpu.memref_slice %arg5[%add3A_202, %dma_wait3A_257] : memref<128x16384xf32, #tpu.memory_space<hbm>> -> memref<1x4096xf32, #tpu.memory_space<hbm>>
    %dma_wait3A_259 = tpu.memref_squeeze %dma_wait3A_258 : memref<1x4096xf32, #tpu.memory_space<hbm>> -> memref<4096xf32, #tpu.memory_space<hbm>>
    %dma_wait3A_260 = arith.constant 12288 : i32
    %dma_wait3A_261 = tpu.memref_slice %arg5[%add3A_202, %dma_wait3A_260] : memref<128x16384xf32, #tpu.memory_space<hbm>> -> memref<1x4096xf32, #tpu.memory_space<hbm>>
    %dma_wait3A_262 = tpu.memref_squeeze %dma_wait3A_261 : memref<1x4096xf32, #tpu.memory_space<hbm>> -> memref<4096xf32, #tpu.memory_space<hbm>>
    tpu.wait_dma2 semaphore(%arg10 : memref<!tpu.dma_semaphore, #tpu.memory_space<semaphore_mem>>) src(%arg9 : memref<4096xf32, #tpu.memory_space<vmem>>) dst(%dma_wait3A_262 : memref<4096xf32, #tpu.memory_space<hbm>>)
    return
  }
}

module attributes {stable_mosaic.version = 14 : i64} {
  func.func @_mlp_body(%arg0: i32, %arg1: memref<128x2048xf32, #tpu.memory_space<vmem>>, %arg2: memref<16x128xf32, #tpu.memory_space<vmem>>, %arg3: memref<16x1xf32, #tpu.memory_space<vmem>>, %arg4: memref<16x1xf32, #tpu.memory_space<vmem>>, %arg5: memref<1x1xf32, #tpu.memory_space<vmem>>, %arg6: memref<2048xf32, #tpu.memory_space<vmem>>) attributes {dimension_semantics = [#tpu.dimension_semantics<arbitrary>], iteration_bounds = array<i64: 8>, scalar_prefetch = 0 : i64, scratch_operands = 0 : i64, tpu.core_type = #tpu.core_type<tc>, window_params = [{transform_indices = @transform_0, window_bounds = array<i64: 128, 2048>}, {pipeline_mode = #tpu.pipeline_mode<synchronous>, transform_indices = @transform_1, window_bounds = array<i64: 16, 128>}, {pipeline_mode = #tpu.pipeline_mode<synchronous>, transform_indices = @transform_2, window_bounds = array<i64: 16, 1>}, {pipeline_mode = #tpu.pipeline_mode<synchronous>, transform_indices = @transform_3, window_bounds = array<i64: 16, 1>}, {pipeline_mode = #tpu.pipeline_mode<synchronous>, transform_indices = @transform_4, window_bounds = array<i64: 1, 1>}, {transform_indices = @transform_5, window_bounds = array<i64: 2048>}]} {
    %get3A = arith.constant 0 : index
    %get3A_0 = arith.constant 0 : index
    %get3A_1 = vector.load %arg2[%get3A, %get3A_0] : memref<16x128xf32, #tpu.memory_space<vmem>>, vector<16x128xf32>
    %get3A_2 = arith.constant 0 : index
    %get3A_3 = arith.constant 0 : index
    %get3A_4 = vector.load %arg1[%get3A_2, %get3A_3] : memref<128x2048xf32, #tpu.memory_space<vmem>>, vector<128x2048xf32>
    %dot_general3A = arith.constant dense<0.000000e+00> : vector<16x2048xf32>
    %dot_general3A_5 = tpu.matmul %get3A_1, %get3A_4, %dot_general3A {dimension_numbers = #tpu.dot_dimension_numbers<[1], [0], [0], [1], [0, 0, 1, 1], [], []>, transpose_lhs_hint = false} : vector<16x128xf32>, vector<128x2048xf32>, vector<16x2048xf32> -> vector<16x2048xf32>
    %get3A_6 = arith.constant 0 : index
    %get3A_7 = arith.constant 0 : index
    %get3A_8 = vector.load %arg3[%get3A_6, %get3A_7] : memref<16x1xf32, #tpu.memory_space<vmem>>, vector<16x1xf32>
    %add3A = vector.broadcast %get3A_8 : vector<16x1xf32> to vector<16x2048xf32>
    %add3A_9 = arith.addf %dot_general3A_5, %add3A : vector<16x2048xf32>
    %max3A = arith.constant 0.000000e+00 : f32
    %max3A_10 = vector.broadcast %max3A : f32 to vector<16x2048xf32>
    %max3A_11 = arith.maximumf %add3A_9, %max3A_10 : vector<16x2048xf32>
    %get3A_12 = arith.constant 0 : index
    %get3A_13 = arith.constant 0 : index
    %get3A_14 = vector.load %arg4[%get3A_12, %get3A_13] : memref<16x1xf32, #tpu.memory_space<vmem>>, vector<16x1xf32>
    %mul3A = vector.broadcast %get3A_14 : vector<16x1xf32> to vector<16x2048xf32>
    %mul3A_15 = arith.mulf %max3A_11, %mul3A : vector<16x2048xf32>
    %reduce_sum3A = arith.constant dense<0.000000e+00> : vector<2048xf32>
    %reduce_sum3A_16 = vector.multi_reduction <add>, %mul3A_15, %reduce_sum3A [0] : vector<16x2048xf32> to vector<2048xf32>
    %get3A_17 = arith.constant 0 : index
    %get3A_18 = arith.constant 0 : index
    %get3A_19 = vector.load %arg5[%get3A_17, %get3A_18] : memref<1x1xf32, #tpu.memory_space<vmem>>, vector<1x1xf32>
    %get3A_20 = vector.extract %get3A_19[0, 0] : f32 from vector<1x1xf32>
    %add3A_21 = vector.broadcast %get3A_20 : f32 to vector<2048xf32>
    %add3A_22 = arith.addf %reduce_sum3A_16, %add3A_21 : vector<2048xf32>
    %swap3A = arith.constant 0 : index
    %swap3A_23 = vector.load %arg6[%swap3A] : memref<2048xf32, #tpu.memory_space<vmem>>, vector<2048xf32>
    tpu.vector_store %arg6[%swap3A], %add3A_22 {strides = array<i32>} : memref<2048xf32, #tpu.memory_space<vmem>>, vector<2048xf32>,
    return
  }
  func.func @transform_0(%arg0: i32) -> (i32, i32) {
    %c0_i32 = arith.constant 0 : i32
    %c0_i32_0 = arith.constant 0 : i32
    return %c0_i32, %arg0 : i32, i32
  }
  func.func @transform_1(%arg0: i32) -> (i32, i32) {
    %c0_i32 = arith.constant 0 : i32
    %c0_i32_0 = arith.constant 0 : i32
    %c0_i32_1 = arith.constant 0 : i32
    return %c0_i32, %c0_i32_0 : i32, i32
  }
  func.func @transform_2(%arg0: i32) -> (i32, i32) {
    %c0_i32 = arith.constant 0 : i32
    %c0_i32_0 = arith.constant 0 : i32
    %c0_i32_1 = arith.constant 0 : i32
    return %c0_i32, %c0_i32_0 : i32, i32
  }
  func.func @transform_3(%arg0: i32) -> (i32, i32) {
    %c0_i32 = arith.constant 0 : i32
    %c0_i32_0 = arith.constant 0 : i32
    %c0_i32_1 = arith.constant 0 : i32
    return %c0_i32, %c0_i32_0 : i32, i32
  }
  func.func @transform_4(%arg0: i32) -> (i32, i32) {
    %c0_i32 = arith.constant 0 : i32
    %c0_i32_0 = arith.constant 0 : i32
    %c0_i32_1 = arith.constant 0 : i32
    return %c0_i32, %c0_i32_0 : i32, i32
  }
  func.func @transform_5(%arg0: i32) -> i32 {
    %c0_i32 = arith.constant 0 : i32
    return %arg0 : i32
  }
}

</mosaic_0001>

<sc_bundles>
// kernel: kernel.4.cloned.1.call-start
scs
__scs_entry_jumppad:
0x0: {  	(pc) =	sbr.rel $0x88, $3  }
0x1: {  	(tag) =	ssettag $0x0;
	lr =	simm.s32 $0x1  }
0x2: {  	[smem:$0x3F9A] =	sst lr;
	_ =	strace $0xD0000000  }
0x3: {  	_ = 	snop  }
0x4: {  	_ = 	snop  }
0x5: {  	_ = 	snop  }
0x6: {  	_ = 	snop  }
0x7: {  	_ = 	snop  }
__scs_overlays_trampoline_lowered:
0x8: {  	[smem:$0x3FA9] =	sst s0  }
0x9: {  	[smem:$0x3FAA] =	sst s1  }
0xa: {  	[smem:$0x3FAB] =	sst s2  }
0xb: {  	[smem:$0x3FAC] =	sst s3  }
0xc: {  	[smem:$0x3FAD] =	sst s4  }
0xd: {  	[smem:$0x3FAE] =	sst s5  }
0xe: {  	[smem:$0x3FAF] =	sst s6  }
0xf: {  	[smem:$0x3FB0] =	sst s7  }
0x10: {  	[smem:$0x3FB1] =	sst s8  }
0x11: {  	[smem:$0x3FB2] =	sst s9;
	s0 =	simm.s32 @!p0 $0x0  }
0x12: {  	s1 =	sld [smem:$0x3F98];
	s0 =	simm.s32 @p0 $0x1  }
0x13: {  	[smem:$0x3FB3] =	sst s0;
	s0 =	simm.s32 @!p1 $0x0  }
0x14: {  	s2 =	sld [smem:$0x3F97];
	s0 =	simm.s32 @p1 $0x1  }
0x15: {  	[smem:$0x3FB4] =	sst s0;
	s0 =	simm.s32 @!p2 $0x0  }
0x16: {  	s3 =	sld [smem:$0x3FDB];
	s0 =	simm.s32 @p2 $0x1  }
0x17: {  	s4 =	simm.s32 $0x1BF5;
	[smem:$0x3FB6] =	sst s0  }
0x18: {  	s0 =	sld [smem:$0x3F99];
	_ =	swait.ge [sflag:s4], $0x0  }
0x19: {  	s7 =	sld [smem:$0x3F9A]  }
0x1a: {  	s8 =	sadd.s32 $0xFFFFE003, lr  }
0x1b: {  	s9 =	sadd.s32 $0xFFFFFEF7, lr;
	s5 =	simm.s32 $0xFFFFFFFF;
	p2 =	slt.u32 s8, $0xFFFFF086  }
0x1c: {  	p1 =	slt.u32 s9, $0xF7A;
	s5 =	simm.s32 @!p2 $0x0  }
0x1d: {  	s5 =	simm.s32 @p1 $0x1;
	p0 =	seq.s32 s7, s2  }
0x1e: {  	s7 =	smul.u32 @!p0 $0xF7A, s2;
	p2 =	seq.s32 @!p0 s5, $0x0  }
0x1f: {  	s9 =	smul.u32 $0xF7A, s1;
	s8 =	simm.s32 @!p0 $0x1BF5;
	p2 =	por !p2, p0  }
0x20: {  	[sflag:s8] =	ssyncset.s32 @!p0 $0xFFFFF086;
	s6 =	sadd.s32 @!p0 s3, s7;
	s7 =	simm.s32 @!p0 $0x108  }
0x21: {  	s3 =	sadd.s32 s3, s9;
	s6 =	sadd.s32 @!p0 $0x88, s6;
	s7 =	simm.s32 @p2 $0x1082  }
0x22: {  	[simem:s7], [sflag:s8] =	dma.local @!p0 [hbm:s6], $0xF7A  }
0x23: {  	s9 =	sor.u32 $0xD0000000, s2;
	s6 =	simm.s32 $0x108;
	_ =	swait.ge @!p0 [sflag:s8], $0x0  }
0x24: {  	s3 =	sadd.s32 $0x88, s3;
	s6 =	simm.s32 @!p1 $0x1082;
	[sflag:s4] =	ssyncset.s32 $0xFFFFF086  }
0x25: {  	[simem:s6], [sflag:s4] =	dma.local [hbm:s3], $0xF7A  }
0x26: {  	[smem:$0x3F9A] =	sst s1;
	(tag) =	ssettag s2;
	_ =	strace s9  }
0x27: {  	s1 =	sld [smem:$0x3FAA]  }
0x28: {  	s2 =	sld [smem:$0x3FAB]  }
0x29: {  	s4 =	sld [smem:$0x3FAD]  }
0x2a: {  	p0 =	seq.s32 s5, $0x0;
	s5 =	sld [smem:$0x3FAE]  }
0x2b: {  	s6 =	sld [smem:$0x3FAF]  }
0x2c: {  	s7 =	sld [smem:$0x3FB0]  }
0x2d: {  	s3 =	simm.s32 $0x108;
	s8 =	sld [smem:$0x3FB1]  }
0x2e: {  	s3 =	simm.s32 @!p0 $0x1082;
	s9 =	sld [smem:$0x3FB2]  }
0x2f: {  	lr =	sadd.s32 s0, s3;
	s0 =	sld [smem:$0x3FA9]  }
0x30: {  	s3 =	sld [smem:$0x3FAC]  }
0x31: {  	[smem:$0x3FB5] =	sst s10  }
0x32: {  	s10 =	sld [smem:$0x3FB3];
	_ =	sdelay $0x3  }
0x33: {  	p0 =	seq.s32 s10, $0x1;
	s10 =	sld [smem:$0x3FB5];
	_ =	sdelay $0x3  }
0x34: {  	[smem:$0x3FB5] =	sst s10  }
0x35: {  	s10 =	sld [smem:$0x3FB4];
	_ =	sdelay $0x3  }
0x36: {  	p1 =	seq.s32 s10, $0x1;
	s10 =	sld [smem:$0x3FB5];
	_ =	sdelay $0x3  }
0x37: {  	[smem:$0x3FB5] =	sst s10  }
0x38: {  	s10 =	sld [smem:$0x3FB6]  }
0x39: {  	_ = 	snop;
	(pc) =	sbr.ind lr, $3  }
0x3a: {  	_ = 	snop  }
0x3b: {  	_ = 	snop  }
0x3c: {  	p2 =	seq.s32 s10, $0x1;
	s10 =	sld [smem:$0x3FB5]  }
0x3d: {  	_ =	shalt  }
0x3e: {  	_ =	shalt  }
0x3f: {  	_ =	shalt  }
0x40: {  	_ =	shalt  }
0x41: {  	_ =	shalt  }
0x42: {  	_ =	shalt  }
0x43: {  	_ =	shalt  }
0x44: {  	_ =	shalt  }
0x45: {  	_ =	shalt  }
0x46: {  	_ =	shalt  }
0x47: {  	_ =	shalt  }
0x48: {  	_ =	shalt  }
0x49: {  	_ =	shalt  }
0x4a: {  	_ =	shalt  }
0x4b: {  	_ =	shalt  }
0x4c: {  	_ =	shalt  }
0x4d: {  	_ =	shalt  }
0x4e: {  	_ =	shalt  }
0x4f: {  	_ =	shalt  }
0x50: {  	_ =	shalt  }
0x51: {  	_ =	shalt  }
0x52: {  	_ =	shalt  }
0x53: {  	_ =	shalt  }
0x54: {  	_ =	shalt  }
0x55: {  	_ =	shalt  }
0x56: {  	_ =	shalt  }
0x57: {  	_ =	shalt  }
0x58: {  	_ =	shalt  }
0x59: {  	_ =	shalt  }
0x5a: {  	_ =	shalt  }
0x5b: {  	_ =	shalt  }
0x5c: {  	_ =	shalt  }
0x5d: {  	_ =	shalt  }
0x5e: {  	_ =	shalt  }
0x5f: {  	_ =	shalt  }
0x60: {  	_ =	shalt  }
0x61: {  	_ =	shalt  }
0x62: {  	_ =	shalt  }
0x63: {  	_ =	shalt  }
0x64: {  	_ =	shalt  }
0x65: {  	_ =	shalt  }
0x66: {  	_ =	shalt  }
0x67: {  	_ =	shalt  }
0x68: {  	_ =	shalt  }
0x69: {  	_ =	shalt  }
0x6a: {  	_ =	shalt  }
0x6b: {  	_ =	shalt  }
0x6c: {  	_ =	shalt  }
0x6d: {  	_ =	shalt  }
0x6e: {  	_ =	shalt  }
0x6f: {  	_ =	shalt  }
0x70: {  	_ =	shalt  }
0x71: {  	_ =	shalt  }
0x72: {  	_ =	shalt  }
0x73: {  	_ =	shalt  }
0x74: {  	_ =	shalt  }
0x75: {  	_ =	shalt  }
0x76: {  	_ =	shalt  }
0x77: {  	_ =	shalt  }
0x78: {  	_ =	shalt  }
0x79: {  	_ =	shalt  }
0x7a: {  	_ =	shalt  }
0x7b: {  	_ =	shalt  }
0x7c: {  	_ =	shalt  }
0x7d: {  	_ =	shalt  }
0x7e: {  	_ =	shalt  }
0x7f: {  	_ =	shalt  }
0x80: {  	_ =	shalt  }
0x81: {  	_ =	shalt  }
0x82: {  	_ =	shalt  }
0x83: {  	_ =	shalt  }
0x84: {  	_ =	shalt  }
0x85: {  	_ =	shalt  }
0x86: {  	_ =	shalt  }
0x87: {  	_ =	shalt  }
.Lfunc_end0:
.L_simem_size_0:
called_computation_lowered:
.L_overlay_start_0:
0x88: {  	s2 =	sld [smem:$0x3FD9]  }
0x89: {  	s3 =	sld [smem:$0x3FFE];
	_ =	sdelay $0x1  }
0x8a: {  	s1 =	srdreg.scid  }
0x8b: {  	s0 =	sand.u32 $0x1, s1  }
0x8c: {  	s17 =	sshll.u32 s0, $0xA;
	s2 =	sadd.s32 s3, s2  }
0x8d: {  	s2 =	sadd.s32 s2, s17  }
0x8e: {  	[smem:$0x3FC1] =	sst s2  }
0x8f: {  	_ = 	snop  }
0x90: {  	s2 =	sld [smem:$0x3FC9]  }
0x91: {  	s18 =	sld [smem:$0x3FC8]  }
0x92: {  	s4 =	sld [smem:$0x3FC7];
	(tm) =	ssettm $0x1  }
0x93: {  	s5 =	sld [smem:$0x3FFB];
	_ =	sdelay $0x3  }
0x94: {  	_ =	strace s5  }
0x95: {  	s5 =	sld [smem:$0x3FFC];
	_ =	sdelay $0x3  }
0x96: {  	_ =	strace s5  }
0x97: {  	s5 =	sld [smem:$0x3FFD];
	_ =	sdelay $0x3  }
0x98: {  	_ =	strace s5  }
0x99: {  	_ =	strace $0x8FFFFFFF  }
0x9a: {  	s19 =	sld [smem:$0x3FDB];
	_ =	sdelay $0x1  }
0x9b: {  	s6 =	simm.s32 $_scs_section_size  }
0x9c: {  	s7 =	simm.s32 $_size__tile_overlayer_lowered;
	s8 =	simm.s32 $_tile_overlayer_lowered  }
0x9d: {  	s22 =	simm.s32 $0x1BFF;
	s21 =	sshll.u32 s8, $0x1;
	s5 =	sadd.s32 s6, s19  }
0x9e: {  	s9 =	simm.s32 $0x0;
	s20 =	sshll.u32 s7, $0x1;
	s7 =	sadd.s32 s21, s5  }
0x9f: {  	[timem:s9], [sflag:s22] =	dma.local [hbm:s7], s20  }
0xa0: {  	_ =	swait.ge [sflag:s22], s20  }
0xa1: {  	s6 =	ssub.s32 $0x0, s20;
	[sflag:s22] =	ssyncset.done $0x0  }
0xa2: {  	[sflag:s22] =	ssyncadd.s32 s6;
	_ =	sdelay $0x1  }
0xa3: {  	s23 =	simm.s32 $0x1B8B  }
0xa4: {  	_ =	swait.ge [sflag:s23], $0x1  }
0xa5: {  	[sflag:s23] =	ssyncset.done $0x0  }
0xa6: {  	s25 =	simm.s32 $0x1B8E;
	s24 =	sld [smem:$0x3FFE];
	[sflag:s23] =	ssyncadd.s32 $0xFFFFFFFF  }
0xa7: {  	s26 =	simm.s32 $execute0_lowered;
	[smem:$0x3FD2] =	sst s25  }
0xa8: {  	s7 =	sshll.u32 s26, $0x1;
	_ =	strace $0x80000046;
	[dreg:$0x1] =	wrdreg $0xFFFFFFFF  }
0xa9: {  	s28 =	simm.s32 $_size_execute0_lowered;
	s5 =	sadd.s32 s5, s7;
	[dreg:$0x0] =	wrdreg $0x0  }
0xaa: {  	s7 =	sshll.u32 s28, $0x1;
	[dreg:$0x2] =	wrdreg s5  }
0xab: {  	[dreg:$0x3] =	wrdreg s7  }
0xac: {  	[dreg:$0x4] =	wrdreg $0xC0  }
0xad: {  	_ =	task [dreg:s9], $0x5FFFF  }
0xae: {  	[dreg:$0x1] =	wrdreg $0xFFFFFFFF  }
0xaf: {  	[dreg:$0x0] =	wrdreg $0x60  }
0xb0: {  	[dreg:$0x2] =	wrdreg s18  }
0xb1: {  	[dreg:$0x3] =	wrdreg s4  }
0xb2: {  	[dreg:$0x4] =	wrdreg s2  }
0xb3: {  	[dreg:$0x5] =	wrdreg s24  }
0xb4: {  	[dreg:$0x6] =	wrdreg $0x9  }
0xb5: {  	_ =	task.clear_ibuf [dreg:s9], $0x7FFFF;
	_ =	strace $0x90000046  }
0xb6: {  	s29 =	simm.s32 $0x9;
	_ =	strace $0x80000048  }
0xb7: {  	_ =	swait.ge [sflag:s29], $0x1  }
0xb8: {  	[sflag:s29] =	ssyncadd.s32 $0xFFFFFFFF  }
0xb9: {  	_ =	strace $0x90000048  }
0xba: {  	_ =	sfence  }
0xbb: {  	s30 =	sld [smem:$0x0];
	_ =	sdelay $0x2  }
0xbc: {  	s31 =	sshll.u32 s1, $0xD;
	s1 =	sshrl.u32 s1, $0x2  }
0xbd: {  	s3 =	sand.u32 $0x4000, s31;
	s1 =	sadd.s32 s1, s30  }
0xbe: {  	s0 =	sor.u32 s3, s0;
	s1 =	sshll.u32 s1, $0x11  }
0xbf: {  	s0 =	sor.u32 s1, s0  }
0xc0: {  	s0 =	sadd.s32 $0x8F2B, s0  }
0xc1: {  	[sflag:s0] =	ssyncadd.remote.s32 $0x1  }
0xc2: {  	_ =	sfence.sel $0xFFFF  }
0xc3: {  	[dreg:$0x0] =	wrdreg $0xFFFFFFFF;
	(pc) =	sbr.abs _section_cstart, $3  }
0xc4: {  	[dreg:$0x1] =	wrdreg $0xFFFFFFFF  }
0xc5: {  	_ =	task.clear_ibuf [dreg:s9], $0x2FFFF;
	_ =	strace $0x9FFFFFFF  }
0xc6: {  	(tm) =	ssettm $0x7FFFFFFF  }
0xc7: {  	_ =	shalt  }
tec
execute0_lowered:
.L_overlay_start_1:
0x0: {  	(tag) =	ssettag $0x1  }
0x1: {  	s0 =	rddreg [dreg:$0x0]  }
0x2: {  	s1 =	rddreg [dreg:$0x1]  }
0x3: {  	s19 =	rddreg [dreg:$0x2]  }
0x4: {  	s2 =	rddreg [dreg:$0x3]  }
0x5: {  	s3 =	simm.s32 $0x0;
	s25 =	srdreg.scid;
	s10 =	stileid.u32  }
0x6: {  	s28 =	simm.s32 $0x100;
	s29 =	simm.s32 $0x2;
	s30 =	simm.s32 $0x400  }
0x7: {  	s31 =	simm.s32 $0x4000;
	[smem:$0x7FF] =	sst s3;
	s3 =	sand.u32 $0x1, s25  }
0x8: {  	s4 =	sadd.s32 $0xC00, s2;
	s5 =	sshll.u32 s10, $0x2;
	s26 =	sshrl.u32 s10, $0x1  }
0x9: {  	s15 =	sshll.u32 s10, $0x10;
	_ =	strace $0x80000047;
	s6 =	sshll.u32 s3, $0x1  }
0xa: {  	s3 =	ssub.s32 $0x2, s3;
	s9 =	smul.u32 $0xC3800, s26;
	s5 =	sor.u32 s6, s5  }
0xb: {  	s7 =	sshrl.u32 s3, $0x1;
	s6 =	sshll.u32 s26, $0x11;
	s8 =	sshll.u32 s5, $0x7  }
0xc: {  	s3 =	ssub.s32 s3, s7;
	s5 =	sor.u32 $0x41, s5;
	s14 =	sand.u32 $0x300, s8  }
0xd: {  	s16 =	sor.u32 s15, s8;
	s25 =	sshll.u32 s5, $0xB;
	s5 =	sshll.u32 s5, $0x4  }
0xe: {  	s11 =	sor.u32 s9, s14;
	s12 =	sor.u32 s6, s14;
	s22 =	sor.u32 $0x80, s14  }
0xf: {  	s23 =	sor.u32 s15, s14;
	s14 =	sadd.s32 $0x10, s19;
	s24 =	sand.u32 $0xE0300, s16  }
0x10: {  	s17 =	sshrl.u32 s11, $0x3;
	s13 =	sshrl.u32 s12, $0x3;
	s9 =	sor.u32 s9, s22  }
0x11: {  	s6 =	sor.u32 s6, s22;
	s7 =	sadd.s32 s0, s17;
	s20 =	sadd.s32 s4, s13  }
0x12: {  	s18 =	sshrl.u32 s9, $0x3;
	s6 =	sshrl.u32 s6, $0x3;
	[dreg:$0x5] =	wrdreg s7  }
0x13: {  	s15 =	sadd.s32 s1, s17;
	[dreg:$0x6] =	wrdreg s20;
	s20 =	sadd.s32 $0x1C00, s2  }
0x14: {  	s9 =	sadd.s32 s0, s18;
	s10 =	sadd.s32 s4, s6;
	s16 =	sadd.s32 s1, s18  }
0x15: {  	s0 =	sshrl.u32 s23, $0x3;
	s1 =	sor.u32 s5, s25;
	s25 =	smax.u32 s3, $0x1  }
0x16: {  	s3 =	simm.s32 $0x0;
	s21 =	sadd.s32 s13, s20;
	s11 =	sadd.s32 s6, s20  }
0x17: {  	s26 =	sor.u32 $0x22000, s0;
	s0 =	sor.u32 $0x23000, s0;
	s1 =	sand.u32 $0x3C070, s1  }
0x18: {  	[dreg:$0x7] =	wrdreg s21;
	s21 =	sadd.s32 $0x2C00, s2;
	s2 =	sadd.s32 $0x3C00, s2  }
0x19: {  	s17 =	sadd.s32 s4, s26;
	s18 =	sadd.s32 s4, s0;
	s19 =	sadd.s32 s4, s1  }
0x1a: {  	s20 =	sadd.s32 s1, s20;
	s26 =	simm.s32 $0x80;
	s0 =	simm.s32 $0x1C700  }
0x1b: {  	s7 =	sadd.s32 s13, s21;
	s8 =	sadd.s32 s13, s2;
	s12 =	sadd.s32 s6, s21  }
0x1c: {  	s13 =	sadd.s32 s6, s2;
	s6 =	sshrl.u32 s24, $0x3;
	s21 =	sadd.s32 s1, s21  }
0x1d: {  	s22 =	sadd.s32 s1, s2;
	s2 =	simm.s32 $0x1D700;
	s6 =	sadd.s32 s6, s4  }
0x1e: {  	s1 =	simm.s32 $0x1;
	s23 =	sadd.s32 $0x20000, s6;
	s24 =	sadd.s32 $0x21000, s6  }
.LBB2_1:
0x1f: {  	s4 =	rddreg [dreg:$0x2];
	s5 =	simm.s32 $0x0  }
0x20: {  	[tilespmem:s5], [sflag:$0x2] =	stream.strided.gather [hbm4b:s4+s26], $0x4000, s28, s26, $0x38;
	[tilespmem:$0x1E700] =	vst v63  }
0x21: {  	_ =	swait.ge [sflag:s29], $0x4000  }
0x22: {  	[sflag:s29] =	ssyncset.done $0x0  }
0x23: {  	s5 =	rddreg [dreg:$0x5];
	[sflag:s29] =	ssyncadd.s32 $0xFFFFC000  }
0x24: {  	[tilespmem:s31], [sflag:$0x2] =	stream.strided.gather [hbm4b:s5+s26], $0x18700, s30, s26, $0x38;
	[tilespmem:$0x1E700] =	vst v63  }
0x25: {  	_ =	swait.ge [sflag:s29], $0x18700  }
0x26: {  	[sflag:s29] =	ssyncset.done $0x0  }
0x27: {  	s6 =	simm.s32 $0x40;
	[sflag:s29] =	ssyncadd.s32 $0xFFFE7900  }
0x28: {  	v0 =	vld [tilespmem:s6+$0x30]  }
0x29: {  	v1 =	vld [tilespmem:s6+$0xFFFFFFD0]  }
0x2a: {  	v2 =	vld [tilespmem:s6+$0xFFFFFFE0]  }
0x2b: {  	v3 =	vld [tilespmem:s6+$0xFFFFFFF0]  }
0x2c: {  	v4 =	vld [tilespmem:s6+$0x0]  }
0x2d: {  	v6 =	vld [tilespmem:s6+$0x10]  }
0x2e: {  	v7 =	vld [tilespmem:s6+$0x20]  }
0x2f: {  	v8 =	vld [tilespmem:s6+$0xFFFFFFC0]  }
0x30: {  	v9 =	vld.idx.msk [tilespmem:v0+s31+$0x0], $0xffff  }
0x31: {  	v10 =	vld.idx.msk [tilespmem:v1+s31+$0x0], $0xffff  }
0x32: {  	v5 =	vld.idx.msk [tilespmem:v2+s31+$0x0], $0xffff  }
0x33: {  	v3 =	vld.idx.msk [tilespmem:v3+s31+$0x0], $0xffff  }
0x34: {  	v0 =	vld.idx.msk [tilespmem:v4+s31+$0x0], $0xffff  }
0x35: {  	s4 =	simm.s32 $0x1C740;
	v1 =	vld.idx.msk [tilespmem:v6+s31+$0x0], $0xffff  }
0x36: {  	v2 =	vld.idx.msk [tilespmem:v7+s31+$0x0], $0xffff;
	[tilespmem:s4+$0x30] =	vst v9  }
0x37: {  	s5 =	simm.s32 $0x0;
	s6 =	simm.s32 $0xC0;
	v4 =	vld.idx.msk [tilespmem:v8+s31+$0x0], $0xffff;
	[tilespmem:s4+$0xFFFFFFD0] =	vst v10  }
.LBB2_2:
0x38: {  	v6 =	vld [tilespmem:s6+$0x30];
	s5 =	sadd.s32 $0x80, s5;
	[tilespmem:s4+$0xFFFFFFE0] =	vst v5  }
0x39: {  	v5 =	vld [tilespmem:s6+$0xFFFFFFD0];
	p0 =	slt.u32 s5, $0xF80;
	[tilespmem:s4+$0xFFFFFFF0] =	vst v3  }
0x3a: {  	v3 =	vld [tilespmem:s6+$0xFFFFFFE0];
	[tilespmem:s4+$0x0] =	vst v0  }
0x3b: {  	v0 =	vld [tilespmem:s6+$0xFFFFFFF0];
	[tilespmem:s4+$0x10] =	vst v1  }
0x3c: {  	v1 =	vld [tilespmem:s6+$0x0];
	[tilespmem:s4+$0x20] =	vst v2  }
0x3d: {  	v2 =	vld [tilespmem:s6+$0x10];
	[tilespmem:s4+$0xFFFFFFC0] =	vst v4  }
0x3e: {  	v4 =	vld [tilespmem:s6+$0x20]  }
0x3f: {  	v7 =	vld [tilespmem:s6+$0xFFFFFFC0]  }
0x40: {  	v6 =	vld.idx.msk [tilespmem:v6+s31+$0x0], $0xffff  }
0x41: {  	v8 =	vld.idx.msk [tilespmem:v5+s31+$0x0], $0xffff  }
0x42: {  	v5 =	vld.idx.msk [tilespmem:v3+s31+$0x0], $0xffff  }
.Ltmp0:
0x43: {  	v3 =	vld.idx.msk [tilespmem:v0+s31+$0x0], $0xffff;
	(pc) =	sbr.rel @p0 .LBB2_2-.Ltmp0, $4  }
0x44: {  	v0 =	vld.idx.msk [tilespmem:v1+s31+$0x0], $0xffff  }
0x45: {  	s4 =	sadd.s32 $0x80, s4;
	v1 =	vld.idx.msk [tilespmem:v2+s31+$0x0], $0xffff  }
0x46: {  	v2 =	vld.idx.msk [tilespmem:v4+s31+$0x0], $0xffff;
	[tilespmem:s4+$0x30] =	vst v6  }
0x47: {  	s6 =	sadd.s32 $0x80, s6;
	v4 =	vld.idx.msk [tilespmem:v7+s31+$0x0], $0xffff;
	[tilespmem:s4+$0xFFFFFFD0] =	vst v8  }
0x48: {  	[tilespmem:s4+$0xFFFFFFE0] =	vst v5  }
0x49: {  	[tilespmem:s4+$0xFFFFFFF0] =	vst v3  }
0x4a: {  	[tilespmem:s4+$0x0] =	vst v0  }
0x4b: {  	[tilespmem:s4+$0x10] =	vst v1  }
0x4c: {  	[tilespmem:s4+$0x20] =	vst v2  }
0x4d: {  	[tilespmem:s4+$0xFFFFFFC0] =	vst v4  }
0x4e: {  	s6 =	simm.s32 $0x1070;
	s4 =	rddreg [dreg:$0x6]  }
0x4f: {  	[hbm4b:s4+s26] =	stream.strided.scatter [tilespmem:s0], [sflag:$0x1], $0x1000, s30, s26, $0x38;
	[tilespmem:$0x1E700] =	vst v63  }
0x50: {  	v0 =	vld [tilespmem:s6+$0x0]  }
0x51: {  	v1 =	vld [tilespmem:s6+$0xFFFFFFA0]  }
0x52: {  	v2 =	vld [tilespmem:s6+$0xFFFFFFB0]  }
0x53: {  	v3 =	vld [tilespmem:s6+$0xFFFFFFC0]  }
0x54: {  	v4 =	vld [tilespmem:s6+$0xFFFFFFD0]  }
0x55: {  	v6 =	vld [tilespmem:s6+$0xFFFFFFE0]  }
0x56: {  	v7 =	vld [tilespmem:s6+$0xFFFFFFF0]  }
0x57: {  	v8 =	vld [tilespmem:s6+$0xFFFFFF90]  }
0x58: {  	v9 =	vld.idx.msk [tilespmem:v0+s31+$0x0], $0xffff  }
0x59: {  	v10 =	vld.idx.msk [tilespmem:v1+s31+$0x0], $0xffff  }
0x5a: {  	v5 =	vld.idx.msk [tilespmem:v2+s31+$0x0], $0xffff  }
0x5b: {  	v3 =	vld.idx.msk [tilespmem:v3+s31+$0x0], $0xffff  }
0x5c: {  	v0 =	vld.idx.msk [tilespmem:v4+s31+$0x0], $0xffff  }
0x5d: {  	s4 =	simm.s32 $0x1D740;
	v1 =	vld.idx.msk [tilespmem:v6+s31+$0x0], $0xffff  }
0x5e: {  	v2 =	vld.idx.msk [tilespmem:v7+s31+$0x0], $0xffff;
	[tilespmem:s4+$0x30] =	vst v9  }
0x5f: {  	s5 =	simm.s32 $0x0;
	s6 =	simm.s32 $0x10F0;
	v4 =	vld.idx.msk [tilespmem:v8+s31+$0x0], $0xffff;
	[tilespmem:s4+$0xFFFFFFD0] =	vst v10  }
.LBB2_4:
0x60: {  	v6 =	vld [tilespmem:s6+$0x0];
	s5 =	sadd.s32 $0x80, s5;
	[tilespmem:s4+$0xFFFFFFE0] =	vst v5  }
0x61: {  	v5 =	vld [tilespmem:s6+$0xFFFFFFA0];
	p0 =	slt.u32 s5, $0xF80;
	[tilespmem:s4+$0xFFFFFFF0] =	vst v3  }
0x62: {  	v3 =	vld [tilespmem:s6+$0xFFFFFFB0];
	[tilespmem:s4+$0x0] =	vst v0  }
0x63: {  	v0 =	vld [tilespmem:s6+$0xFFFFFFC0];
	[tilespmem:s4+$0x10] =	vst v1  }
0x64: {  	v1 =	vld [tilespmem:s6+$0xFFFFFFD0];
	[tilespmem:s4+$0x20] =	vst v2  }
0x65: {  	v2 =	vld [tilespmem:s6+$0xFFFFFFE0];
	[tilespmem:s4+$0xFFFFFFC0] =	vst v4  }
0x66: {  	v4 =	vld [tilespmem:s6+$0xFFFFFFF0]  }
0x67: {  	v7 =	vld [tilespmem:s6+$0xFFFFFF90]  }
0x68: {  	v6 =	vld.idx.msk [tilespmem:v6+s31+$0x0], $0xffff  }
0x69: {  	v8 =	vld.idx.msk [tilespmem:v5+s31+$0x0], $0xffff  }
0x6a: {  	v5 =	vld.idx.msk [tilespmem:v3+s31+$0x0], $0xffff  }
.Ltmp1:
0x6b: {  	v3 =	vld.idx.msk [tilespmem:v0+s31+$0x0], $0xffff;
	(pc) =	sbr.rel @p0 .LBB2_4-.Ltmp1, $4  }
0x6c: {  	v0 =	vld.idx.msk [tilespmem:v1+s31+$0x0], $0xffff  }
0x6d: {  	s4 =	sadd.s32 $0x80, s4;
	v1 =	vld.idx.msk [tilespmem:v2+s31+$0x0], $0xffff  }
0x6e: {  	v2 =	vld.idx.msk [tilespmem:v4+s31+$0x0], $0xffff;
	[tilespmem:s4+$0x30] =	vst v6  }
0x6f: {  	s6 =	sadd.s32 $0x80, s6;
	v4 =	vld.idx.msk [tilespmem:v7+s31+$0x0], $0xffff;
	[tilespmem:s4+$0xFFFFFFD0] =	vst v8  }
0x70: {  	[tilespmem:s4+$0xFFFFFFE0] =	vst v5  }
0x71: {  	[tilespmem:s4+$0xFFFFFFF0] =	vst v3  }
0x72: {  	[tilespmem:s4+$0x0] =	vst v0  }
0x73: {  	[tilespmem:s4+$0x10] =	vst v1  }
0x74: {  	[tilespmem:s4+$0x20] =	vst v2  }
0x75: {  	[tilespmem:s4+$0xFFFFFFC0] =	vst v4  }
0x76: {  	s4 =	rddreg [dreg:$0x7]  }
0x77: {  	[hbm4b:s4+s26] =	stream.strided.scatter [tilespmem:s2], [sflag:$0x1], $0x1000, s30, s26, $0x38;
	[tilespmem:$0x1E700] =	vst v63  }
0x78: {  	_ =	swait.ge [sflag:s1], $0x1000  }
0x79: {  	[sflag:s1] =	ssyncset.done $0x0  }
0x7a: {  	s6 =	simm.s32 $0x2070;
	[sflag:s1] =	ssyncadd.s32 $0xFFFFF000  }
0x7b: {  	v0 =	vld [tilespmem:s6+$0x0]  }
0x7c: {  	v1 =	vld [tilespmem:s6+$0xFFFFFFA0]  }
0x7d: {  	v2 =	vld [tilespmem:s6+$0xFFFFFFB0]  }
0x7e: {  	v3 =	vld [tilespmem:s6+$0xFFFFFFC0]  }
0x7f: {  	v4 =	vld [tilespmem:s6+$0xFFFFFFD0]  }
0x80: {  	v6 =	vld [tilespmem:s6+$0xFFFFFFE0]  }
0x81: {  	v7 =	vld [tilespmem:s6+$0xFFFFFFF0]  }
0x82: {  	v8 =	vld [tilespmem:s6+$0xFFFFFF90]  }
0x83: {  	v9 =	vld.idx.msk [tilespmem:v0+s31+$0x0], $0xffff  }
0x84: {  	v10 =	vld.idx.msk [tilespmem:v1+s31+$0x0], $0xffff  }
0x85: {  	v5 =	vld.idx.msk [tilespmem:v2+s31+$0x0], $0xffff  }
0x86: {  	v3 =	vld.idx.msk [tilespmem:v3+s31+$0x0], $0xffff  }
0x87: {  	v0 =	vld.idx.msk [tilespmem:v4+s31+$0x0], $0xffff  }
0x88: {  	s4 =	simm.s32 $0x1C740;
	v1 =	vld.idx.msk [tilespmem:v6+s31+$0x0], $0xffff  }
0x89: {  	v2 =	vld.idx.msk [tilespmem:v7+s31+$0x0], $0xffff;
	[tilespmem:s4+$0x30] =	vst v9  }
0x8a: {  	s5 =	simm.s32 $0x0;
	s6 =	simm.s32 $0x20F0;
	v4 =	vld.idx.msk [tilespmem:v8+s31+$0x0], $0xffff;
	[tilespmem:s4+$0xFFFFFFD0] =	vst v10  }
.LBB2_6:
0x8b: {  	v6 =	vld [tilespmem:s6+$0x0];
	s5 =	sadd.s32 $0x80, s5;
	[tilespmem:s4+$0xFFFFFFE0] =	vst v5  }
0x8c: {  	v5 =	vld [tilespmem:s6+$0xFFFFFFA0];
	p0 =	slt.u32 s5, $0xF80;
	[tilespmem:s4+$0xFFFFFFF0] =	vst v3  }
0x8d: {  	v3 =	vld [tilespmem:s6+$0xFFFFFFB0];
	[tilespmem:s4+$0x0] =	vst v0  }
0x8e: {  	v0 =	vld [tilespmem:s6+$0xFFFFFFC0];
	[tilespmem:s4+$0x10] =	vst v1  }
0x8f: {  	v1 =	vld [tilespmem:s6+$0xFFFFFFD0];
	[tilespmem:s4+$0x20] =	vst v2  }
0x90: {  	v2 =	vld [tilespmem:s6+$0xFFFFFFE0];
	[tilespmem:s4+$0xFFFFFFC0] =	vst v4  }
0x91: {  	v4 =	vld [tilespmem:s6+$0xFFFFFFF0]  }
0x92: {  	v7 =	vld [tilespmem:s6+$0xFFFFFF90]  }
0x93: {  	v6 =	vld.idx.msk [tilespmem:v6+s31+$0x0], $0xffff  }
0x94: {  	v8 =	vld.idx.msk [tilespmem:v5+s31+$0x0], $0xffff  }
0x95: {  	v5 =	vld.idx.msk [tilespmem:v3+s31+$0x0], $0xffff  }
.Ltmp2:
0x96: {  	v3 =	vld.idx.msk [tilespmem:v0+s31+$0x0], $0xffff;
	(pc) =	sbr.rel @p0 .LBB2_6-.Ltmp2, $4  }
0x97: {  	v0 =	vld.idx.msk [tilespmem:v1+s31+$0x0], $0xffff  }
0x98: {  	s4 =	sadd.s32 $0x80, s4;
	v1 =	vld.idx.msk [tilespmem:v2+s31+$0x0], $0xffff  }
0x99: {  	v2 =	vld.idx.msk [tilespmem:v4+s31+$0x0], $0xffff;
	[tilespmem:s4+$0x30] =	vst v6  }
0x9a: {  	s6 =	sadd.s32 $0x80, s6;
	v4 =	vld.idx.msk [tilespmem:v7+s31+$0x0], $0xffff;
	[tilespmem:s4+$0xFFFFFFD0] =	vst v8  }
0x9b: {  	[tilespmem:s4+$0xFFFFFFE0] =	vst v5  }
0x9c: {  	[tilespmem:s4+$0xFFFFFFF0] =	vst v3  }
0x9d: {  	[tilespmem:s4+$0x0] =	vst v0  }
0x9e: {  	[tilespmem:s4+$0x10] =	vst v1  }
0x9f: {  	[tilespmem:s4+$0x20] =	vst v2  }
0xa0: {  	[tilespmem:s4+$0xFFFFFFC0] =	vst v4  }
0xa1: {  	[hbm4b:s7+s26] =	stream.strided.scatter [tilespmem:s0], [sflag:$0x1], $0x1000, s30, s26, $0x38;
	[tilespmem:$0x1E700] =	vst v63  }
0xa2: {  	_ =	swait.ge [sflag:s1], $0x1000  }
0xa3: {  	[sflag:s1] =	ssyncset.done $0x0  }
0xa4: {  	s6 =	simm.s32 $0x3070;
	[sflag:s1] =	ssyncadd.s32 $0xFFFFF000  }
0xa5: {  	v0 =	vld [tilespmem:s6+$0x0]  }
0xa6: {  	v1 =	vld [tilespmem:s6+$0xFFFFFFA0]  }
0xa7: {  	v2 =	vld [tilespmem:s6+$0xFFFFFFB0]  }
0xa8: {  	v3 =	vld [tilespmem:s6+$0xFFFFFFC0]  }
0xa9: {  	v4 =	vld [tilespmem:s6+$0xFFFFFFD0]  }
0xaa: {  	v6 =	vld [tilespmem:s6+$0xFFFFFFE0]  }
0xab: {  	v7 =	vld [tilespmem:s6+$0xFFFFFFF0]  }
0xac: {  	v8 =	vld [tilespmem:s6+$0xFFFFFF90]  }
0xad: {  	v9 =	vld.idx.msk [tilespmem:v0+s31+$0x0], $0xffff  }
0xae: {  	v10 =	vld.idx.msk [tilespmem:v1+s31+$0x0], $0xffff  }
0xaf: {  	v5 =	vld.idx.msk [tilespmem:v2+s31+$0x0], $0xffff  }
0xb0: {  	v3 =	vld.idx.msk [tilespmem:v3+s31+$0x0], $0xffff  }
0xb1: {  	v0 =	vld.idx.msk [tilespmem:v4+s31+$0x0], $0xffff  }
0xb2: {  	s4 =	simm.s32 $0x1D740;
	v1 =	vld.idx.msk [tilespmem:v6+s31+$0x0], $0xffff  }
0xb3: {  	v2 =	vld.idx.msk [tilespmem:v7+s31+$0x0], $0xffff;
	[tilespmem:s4+$0x30] =	vst v9  }
0xb4: {  	s5 =	simm.s32 $0x0;
	s6 =	simm.s32 $0x30F0;
	v4 =	vld.idx.msk [tilespmem:v8+s31+$0x0], $0xffff;
	[tilespmem:s4+$0xFFFFFFD0] =	vst v10  }
.LBB2_8:
0xb5: {  	v6 =	vld [tilespmem:s6+$0x0];
	s5 =	sadd.s32 $0x80, s5;
	[tilespmem:s4+$0xFFFFFFE0] =	vst v5  }
0xb6: {  	v5 =	vld [tilespmem:s6+$0xFFFFFFA0];
	p0 =	slt.u32 s5, $0xF80;
	[tilespmem:s4+$0xFFFFFFF0] =	vst v3  }
0xb7: {  	v3 =	vld [tilespmem:s6+$0xFFFFFFB0];
	[tilespmem:s4+$0x0] =	vst v0  }
0xb8: {  	v0 =	vld [tilespmem:s6+$0xFFFFFFC0];
	[tilespmem:s4+$0x10] =	vst v1  }
0xb9: {  	v1 =	vld [tilespmem:s6+$0xFFFFFFD0];
	[tilespmem:s4+$0x20] =	vst v2  }
0xba: {  	v2 =	vld [tilespmem:s6+$0xFFFFFFE0];
	[tilespmem:s4+$0xFFFFFFC0] =	vst v4  }
0xbb: {  	v4 =	vld [tilespmem:s6+$0xFFFFFFF0]  }
0xbc: {  	v7 =	vld [tilespmem:s6+$0xFFFFFF90]  }
0xbd: {  	v6 =	vld.idx.msk [tilespmem:v6+s31+$0x0], $0xffff  }
0xbe: {  	v8 =	vld.idx.msk [tilespmem:v5+s31+$0x0], $0xffff  }
0xbf: {  	v5 =	vld.idx.msk [tilespmem:v3+s31+$0x0], $0xffff  }
.Ltmp3:
0xc0: {  	v3 =	vld.idx.msk [tilespmem:v0+s31+$0x0], $0xffff;
	(pc) =	sbr.rel @p0 .LBB2_8-.Ltmp3, $4  }
0xc1: {  	v0 =	vld.idx.msk [tilespmem:v1+s31+$0x0], $0xffff  }
0xc2: {  	s4 =	sadd.s32 $0x80, s4;
	v1 =	vld.idx.msk [tilespmem:v2+s31+$0x0], $0xffff  }
0xc3: {  	v2 =	vld.idx.msk [tilespmem:v4+s31+$0x0], $0xffff;
	[tilespmem:s4+$0x30] =	vst v6  }
0xc4: {  	s6 =	sadd.s32 $0x80, s6;
	v4 =	vld.idx.msk [tilespmem:v7+s31+$0x0], $0xffff;
	[tilespmem:s4+$0xFFFFFFD0] =	vst v8  }
0xc5: {  	[tilespmem:s4+$0xFFFFFFE0] =	vst v5  }
0xc6: {  	[tilespmem:s4+$0xFFFFFFF0] =	vst v3  }
0xc7: {  	[tilespmem:s4+$0x0] =	vst v0  }
0xc8: {  	[tilespmem:s4+$0x10] =	vst v1  }
0xc9: {  	[tilespmem:s4+$0x20] =	vst v2  }
0xca: {  	[tilespmem:s4+$0xFFFFFFC0] =	vst v4  }
0xcb: {  	[hbm4b:s8+s26] =	stream.strided.scatter [tilespmem:s2], [sflag:$0x1], $0x1000, s30, s26, $0x38;
	[tilespmem:$0x1E700] =	vst v63  }
0xcc: {  	_ =	swait.ge [sflag:s1], $0x1000  }
0xcd: {  	[sflag:s1] =	ssyncset.done $0x0  }
0xce: {  	[sflag:s1] =	ssyncadd.s32 $0xFFFFF000  }
0xcf: {  	_ =	swait.ge [sflag:s1], $0x1000  }
0xd0: {  	[sflag:s1] =	ssyncset.done $0x0  }
0xd1: {  	[sflag:s1] =	ssyncadd.s32 $0xFFFFF000  }
0xd2: {  	[tilespmem:s31], [sflag:$0x2] =	stream.strided.gather [hbm4b:s9+s26], $0x18700, s30, s26, $0x38;
	[tilespmem:$0x1E700] =	vst v63  }
0xd3: {  	_ =	swait.ge [sflag:s29], $0x18700  }
0xd4: {  	[sflag:s29] =	ssyncset.done $0x0  }
0xd5: {  	s6 =	simm.s32 $0x40;
	[sflag:s29] =	ssyncadd.s32 $0xFFFE7900  }
0xd6: {  	v0 =	vld [tilespmem:s6+$0x30]  }
0xd7: {  	v1 =	vld [tilespmem:s6+$0xFFFFFFD0]  }
0xd8: {  	v2 =	vld [tilespmem:s6+$0xFFFFFFE0]  }
0xd9: {  	v3 =	vld [tilespmem:s6+$0xFFFFFFF0]  }
0xda: {  	v4 =	vld [tilespmem:s6+$0x0]  }
0xdb: {  	v6 =	vld [tilespmem:s6+$0x10]  }
0xdc: {  	v7 =	vld [tilespmem:s6+$0x20]  }
0xdd: {  	v8 =	vld [tilespmem:s6+$0xFFFFFFC0]  }
0xde: {  	v9 =	vld.idx.msk [tilespmem:v0+s31+$0x0], $0xffff  }
0xdf: {  	v10 =	vld.idx.msk [tilespmem:v1+s31+$0x0], $0xffff  }
0xe0: {  	v5 =	vld.idx.msk [tilespmem:v2+s31+$0x0], $0xffff  }
0xe1: {  	v3 =	vld.idx.msk [tilespmem:v3+s31+$0x0], $0xffff  }
0xe2: {  	v0 =	vld.idx.msk [tilespmem:v4+s31+$0x0], $0xffff  }
0xe3: {  	s4 =	simm.s32 $0x1C740;
	v1 =	vld.idx.msk [tilespmem:v6+s31+$0x0], $0xffff  }
0xe4: {  	v2 =	vld.idx.msk [tilespmem:v7+s31+$0x0], $0xffff;
	[tilespmem:s4+$0x30] =	vst v9  }
0xe5: {  	s5 =	simm.s32 $0x0;
	s6 =	simm.s32 $0xC0;
	v4 =	vld.idx.msk [tilespmem:v8+s31+$0x0], $0xffff;
	[tilespmem:s4+$0xFFFFFFD0] =	vst v10  }
.LBB2_10:
0xe6: {  	v6 =	vld [tilespmem:s6+$0x30];
	s5 =	sadd.s32 $0x80, s5;
	[tilespmem:s4+$0xFFFFFFE0] =	vst v5  }
0xe7: {  	v5 =	vld [tilespmem:s6+$0xFFFFFFD0];
	p0 =	slt.u32 s5, $0xF80;
	[tilespmem:s4+$0xFFFFFFF0] =	vst v3  }
0xe8: {  	v3 =	vld [tilespmem:s6+$0xFFFFFFE0];
	[tilespmem:s4+$0x0] =	vst v0  }
0xe9: {  	v0 =	vld [tilespmem:s6+$0xFFFFFFF0];
	[tilespmem:s4+$0x10] =	vst v1  }
0xea: {  	v1 =	vld [tilespmem:s6+$0x0];
	[tilespmem:s4+$0x20] =	vst v2  }
0xeb: {  	v2 =	vld [tilespmem:s6+$0x10];
	[tilespmem:s4+$0xFFFFFFC0] =	vst v4  }
0xec: {  	v4 =	vld [tilespmem:s6+$0x20]  }
0xed: {  	v7 =	vld [tilespmem:s6+$0xFFFFFFC0]  }
0xee: {  	v6 =	vld.idx.msk [tilespmem:v6+s31+$0x0], $0xffff  }
0xef: {  	v8 =	vld.idx.msk [tilespmem:v5+s31+$0x0], $0xffff  }
0xf0: {  	v5 =	vld.idx.msk [tilespmem:v3+s31+$0x0], $0xffff  }
.Ltmp4:
0xf1: {  	v3 =	vld.idx.msk [tilespmem:v0+s31+$0x0], $0xffff;
	(pc) =	sbr.rel @p0 .LBB2_10-.Ltmp4, $4  }
0xf2: {  	v0 =	vld.idx.msk [tilespmem:v1+s31+$0x0], $0xffff  }
0xf3: {  	s4 =	sadd.s32 $0x80, s4;
	v1 =	vld.idx.msk [tilespmem:v2+s31+$0x0], $0xffff  }
0xf4: {  	v2 =	vld.idx.msk [tilespmem:v4+s31+$0x0], $0xffff;
	[tilespmem:s4+$0x30] =	vst v6  }
0xf5: {  	s6 =	sadd.s32 $0x80, s6;
	v4 =	vld.idx.msk [tilespmem:v7+s31+$0x0], $0xffff;
	[tilespmem:s4+$0xFFFFFFD0] =	vst v8  }
0xf6: {  	[tilespmem:s4+$0xFFFFFFE0] =	vst v5  }
0xf7: {  	[tilespmem:s4+$0xFFFFFFF0] =	vst v3  }
0xf8: {  	[tilespmem:s4+$0x0] =	vst v0  }
0xf9: {  	[tilespmem:s4+$0x10] =	vst v1  }
0xfa: {  	[tilespmem:s4+$0x20] =	vst v2  }
0xfb: {  	s6 =	simm.s32 $0x1070;
	[tilespmem:s4+$0xFFFFFFC0] =	vst v4  }
0xfc: {  	[hbm4b:s10+s26] =	stream.strided.scatter [tilespmem:s0], [sflag:$0x1], $0x1000, s30, s26, $0x38;
	[tilespmem:$0x1E700] =	vst v63  }
0xfd: {  	v0 =	vld [tilespmem:s6+$0x0]  }
0xfe: {  	v1 =	vld [tilespmem:s6+$0xFFFFFFA0]  }
0xff: {  	v2 =	vld [tilespmem:s6+$0xFFFFFFB0]  }
0x100: {  	v3 =	vld [tilespmem:s6+$0xFFFFFFC0]  }
0x101: {  	v4 =	vld [tilespmem:s6+$0xFFFFFFD0]  }
0x102: {  	v6 =	vld [tilespmem:s6+$0xFFFFFFE0]  }
0x103: {  	v7 =	vld [tilespmem:s6+$0xFFFFFFF0]  }
0x104: {  	v8 =	vld [tilespmem:s6+$0xFFFFFF90]  }
0x105: {  	v9 =	vld.idx.msk [tilespmem:v0+s31+$0x0], $0xffff  }
0x106: {  	v10 =	vld.idx.msk [tilespmem:v1+s31+$0x0], $0xffff  }
0x107: {  	v5 =	vld.idx.msk [tilespmem:v2+s31+$0x0], $0xffff  }
0x108: {  	v3 =	vld.idx.msk [tilespmem:v3+s31+$0x0], $0xffff  }
0x109: {  	v0 =	vld.idx.msk [tilespmem:v4+s31+$0x0], $0xffff  }
0x10a: {  	s4 =	simm.s32 $0x1D740;
	v1 =	vld.idx.msk [tilespmem:v6+s31+$0x0], $0xffff  }
0x10b: {  	v2 =	vld.idx.msk [tilespmem:v7+s31+$0x0], $0xffff;
	[tilespmem:s4+$0x30] =	vst v9  }
0x10c: {  	s5 =	simm.s32 $0x0;
	s6 =	simm.s32 $0x10F0;
	v4 =	vld.idx.msk [tilespmem:v8+s31+$0x0], $0xffff;
	[tilespmem:s4+$0xFFFFFFD0] =	vst v10  }
.LBB2_12:
0x10d: {  	v6 =	vld [tilespmem:s6+$0x0];
	s5 =	sadd.s32 $0x80, s5;
	[tilespmem:s4+$0xFFFFFFE0] =	vst v5  }
0x10e: {  	v5 =	vld [tilespmem:s6+$0xFFFFFFA0];
	p0 =	slt.u32 s5, $0xF80;
	[tilespmem:s4+$0xFFFFFFF0] =	vst v3  }
0x10f: {  	v3 =	vld [tilespmem:s6+$0xFFFFFFB0];
	[tilespmem:s4+$0x0] =	vst v0  }
0x110: {  	v0 =	vld [tilespmem:s6+$0xFFFFFFC0];
	[tilespmem:s4+$0x10] =	vst v1  }
0x111: {  	v1 =	vld [tilespmem:s6+$0xFFFFFFD0];
	[tilespmem:s4+$0x20] =	vst v2  }
0x112: {  	v2 =	vld [tilespmem:s6+$0xFFFFFFE0];
	[tilespmem:s4+$0xFFFFFFC0] =	vst v4  }
0x113: {  	v4 =	vld [tilespmem:s6+$0xFFFFFFF0]  }
0x114: {  	v7 =	vld [tilespmem:s6+$0xFFFFFF90]  }
0x115: {  	v6 =	vld.idx.msk [tilespmem:v6+s31+$0x0], $0xffff  }
0x116: {  	v8 =	vld.idx.msk [tilespmem:v5+s31+$0x0], $0xffff  }
0x117: {  	v5 =	vld.idx.msk [tilespmem:v3+s31+$0x0], $0xffff  }
.Ltmp5:
0x118: {  	v3 =	vld.idx.msk [tilespmem:v0+s31+$0x0], $0xffff;
	(pc) =	sbr.rel @p0 .LBB2_12-.Ltmp5, $4  }
0x119: {  	v0 =	vld.idx.msk [tilespmem:v1+s31+$0x0], $0xffff  }
0x11a: {  	s4 =	sadd.s32 $0x80, s4;
	v1 =	vld.idx.msk [tilespmem:v2+s31+$0x0], $0xffff  }
0x11b: {  	v2 =	vld.idx.msk [tilespmem:v4+s31+$0x0], $0xffff;
	[tilespmem:s4+$0x30] =	vst v6  }
0x11c: {  	s6 =	sadd.s32 $0x80, s6;
	v4 =	vld.idx.msk [tilespmem:v7+s31+$0x0], $0xffff;
	[tilespmem:s4+$0xFFFFFFD0] =	vst v8  }
0x11d: {  	[tilespmem:s4+$0xFFFFFFE0] =	vst v5  }
0x11e: {  	[tilespmem:s4+$0xFFFFFFF0] =	vst v3  }
0x11f: {  	[tilespmem:s4+$0x0] =	vst v0  }
0x120: {  	[tilespmem:s4+$0x10] =	vst v1  }
0x121: {  	[tilespmem:s4+$0x20] =	vst v2  }
0x122: {  	[tilespmem:s4+$0xFFFFFFC0] =	vst v4  }
0x123: {  	[hbm4b:s11+s26] =	stream.strided.scatter [tilespmem:s2], [sflag:$0x1], $0x1000, s30, s26, $0x38;
	[tilespmem:$0x1E700] =	vst v63  }
0x124: {  	_ =	swait.ge [sflag:s1], $0x1000  }
0x125: {  	[sflag:s1] =	ssyncset.done $0x0  }
0x126: {  	s6 =	simm.s32 $0x2070;
	[sflag:s1] =	ssyncadd.s32 $0xFFFFF000  }
0x127: {  	v0 =	vld [tilespmem:s6+$0x0]  }
0x128: {  	v1 =	vld [tilespmem:s6+$0xFFFFFFA0]  }
0x129: {  	v2 =	vld [tilespmem:s6+$0xFFFFFFB0]  }
0x12a: {  	v3 =	vld [tilespmem:s6+$0xFFFFFFC0]  }
0x12b: {  	v4 =	vld [tilespmem:s6+$0xFFFFFFD0]  }
0x12c: {  	v6 =	vld [tilespmem:s6+$0xFFFFFFE0]  }
0x12d: {  	v7 =	vld [tilespmem:s6+$0xFFFFFFF0]  }
0x12e: {  	v8 =	vld [tilespmem:s6+$0xFFFFFF90]  }
0x12f: {  	v9 =	vld.idx.msk [tilespmem:v0+s31+$0x0], $0xffff  }
0x130: {  	v10 =	vld.idx.msk [tilespmem:v1+s31+$0x0], $0xffff  }
0x131: {  	v5 =	vld.idx.msk [tilespmem:v2+s31+$0x0], $0xffff  }
0x132: {  	v3 =	vld.idx.msk [tilespmem:v3+s31+$0x0], $0xffff  }
0x133: {  	v0 =	vld.idx.msk [tilespmem:v4+s31+$0x0], $0xffff  }
0x134: {  	s4 =	simm.s32 $0x1C740;
	v1 =	vld.idx.msk [tilespmem:v6+s31+$0x0], $0xffff  }
0x135: {  	v2 =	vld.idx.msk [tilespmem:v7+s31+$0x0], $0xffff;
	[tilespmem:s4+$0x30] =	vst v9  }
0x136: {  	s5 =	simm.s32 $0x0;
	s6 =	simm.s32 $0x20F0;
	v4 =	vld.idx.msk [tilespmem:v8+s31+$0x0], $0xffff;
	[tilespmem:s4+$0xFFFFFFD0] =	vst v10  }
.LBB2_14:
0x137: {  	v6 =	vld [tilespmem:s6+$0x0];
	s5 =	sadd.s32 $0x80, s5;
	[tilespmem:s4+$0xFFFFFFE0] =	vst v5  }
0x138: {  	v5 =	vld [tilespmem:s6+$0xFFFFFFA0];
	p0 =	slt.u32 s5, $0xF80;
	[tilespmem:s4+$0xFFFFFFF0] =	vst v3  }
0x139: {  	v3 =	vld [tilespmem:s6+$0xFFFFFFB0];
	[tilespmem:s4+$0x0] =	vst v0  }
0x13a: {  	v0 =	vld [tilespmem:s6+$0xFFFFFFC0];
	[tilespmem:s4+$0x10] =	vst v1  }
0x13b: {  	v1 =	vld [tilespmem:s6+$0xFFFFFFD0];
	[tilespmem:s4+$0x20] =	vst v2  }
0x13c: {  	v2 =	vld [tilespmem:s6+$0xFFFFFFE0];
	[tilespmem:s4+$0xFFFFFFC0] =	vst v4  }
0x13d: {  	v4 =	vld [tilespmem:s6+$0xFFFFFFF0]  }
0x13e: {  	v7 =	vld [tilespmem:s6+$0xFFFFFF90]  }
0x13f: {  	v6 =	vld.idx.msk [tilespmem:v6+s31+$0x0], $0xffff  }
0x140: {  	v8 =	vld.idx.msk [tilespmem:v5+s31+$0x0], $0xffff  }
0x141: {  	v5 =	vld.idx.msk [tilespmem:v3+s31+$0x0], $0xffff  }
.Ltmp6:
0x142: {  	v3 =	vld.idx.msk [tilespmem:v0+s31+$0x0], $0xffff;
	(pc) =	sbr.rel @p0 .LBB2_14-.Ltmp6, $4  }
0x143: {  	v0 =	vld.idx.msk [tilespmem:v1+s31+$0x0], $0xffff  }
0x144: {  	s4 =	sadd.s32 $0x80, s4;
	v1 =	vld.idx.msk [tilespmem:v2+s31+$0x0], $0xffff  }
0x145: {  	v2 =	vld.idx.msk [tilespmem:v4+s31+$0x0], $0xffff;
	[tilespmem:s4+$0x30] =	vst v6  }
0x146: {  	s6 =	sadd.s32 $0x80, s6;
	v4 =	vld.idx.msk [tilespmem:v7+s31+$0x0], $0xffff;
	[tilespmem:s4+$0xFFFFFFD0] =	vst v8  }
0x147: {  	[tilespmem:s4+$0xFFFFFFE0] =	vst v5  }
0x148: {  	[tilespmem:s4+$0xFFFFFFF0] =	vst v3  }
0x149: {  	[tilespmem:s4+$0x0] =	vst v0  }
0x14a: {  	[tilespmem:s4+$0x10] =	vst v1  }
0x14b: {  	[tilespmem:s4+$0x20] =	vst v2  }
0x14c: {  	[tilespmem:s4+$0xFFFFFFC0] =	vst v4  }
0x14d: {  	[hbm4b:s12+s26] =	stream.strided.scatter [tilespmem:s0], [sflag:$0x1], $0x1000, s30, s26, $0x38;
	[tilespmem:$0x1E700] =	vst v63  }
0x14e: {  	_ =	swait.ge [sflag:s1], $0x1000  }
0x14f: {  	[sflag:s1] =	ssyncset.done $0x0  }
0x150: {  	s6 =	simm.s32 $0x3070;
	[sflag:s1] =	ssyncadd.s32 $0xFFFFF000  }
0x151: {  	v0 =	vld [tilespmem:s6+$0x0]  }
0x152: {  	v1 =	vld [tilespmem:s6+$0xFFFFFFA0]  }
0x153: {  	v2 =	vld [tilespmem:s6+$0xFFFFFFB0]  }
0x154: {  	v3 =	vld [tilespmem:s6+$0xFFFFFFC0]  }
0x155: {  	v4 =	vld [tilespmem:s6+$0xFFFFFFD0]  }
0x156: {  	v6 =	vld [tilespmem:s6+$0xFFFFFFE0]  }
0x157: {  	v7 =	vld [tilespmem:s6+$0xFFFFFFF0]  }
0x158: {  	v8 =	vld [tilespmem:s6+$0xFFFFFF90]  }
0x159: {  	v9 =	vld.idx.msk [tilespmem:v0+s31+$0x0], $0xffff  }
0x15a: {  	v10 =	vld.idx.msk [tilespmem:v1+s31+$0x0], $0xffff  }
0x15b: {  	v5 =	vld.idx.msk [tilespmem:v2+s31+$0x0], $0xffff  }
0x15c: {  	v3 =	vld.idx.msk [tilespmem:v3+s31+$0x0], $0xffff  }
0x15d: {  	v0 =	vld.idx.msk [tilespmem:v4+s31+$0x0], $0xffff  }
0x15e: {  	s4 =	simm.s32 $0x1D740;
	v1 =	vld.idx.msk [tilespmem:v6+s31+$0x0], $0xffff  }
0x15f: {  	v2 =	vld.idx.msk [tilespmem:v7+s31+$0x0], $0xffff;
	[tilespmem:s4+$0x30] =	vst v9  }
0x160: {  	s5 =	simm.s32 $0x0;
	s6 =	simm.s32 $0x30F0;
	v4 =	vld.idx.msk [tilespmem:v8+s31+$0x0], $0xffff;
	[tilespmem:s4+$0xFFFFFFD0] =	vst v10  }
.LBB2_16:
0x161: {  	v6 =	vld [tilespmem:s6+$0x0];
	s5 =	sadd.s32 $0x80, s5;
	[tilespmem:s4+$0xFFFFFFE0] =	vst v5  }
0x162: {  	v5 =	vld [tilespmem:s6+$0xFFFFFFA0];
	p0 =	slt.u32 s5, $0xF80;
	[tilespmem:s4+$0xFFFFFFF0] =	vst v3  }
0x163: {  	v3 =	vld [tilespmem:s6+$0xFFFFFFB0];
	[tilespmem:s4+$0x0] =	vst v0  }
0x164: {  	v0 =	vld [tilespmem:s6+$0xFFFFFFC0];
	[tilespmem:s4+$0x10] =	vst v1  }
0x165: {  	v1 =	vld [tilespmem:s6+$0xFFFFFFD0];
	[tilespmem:s4+$0x20] =	vst v2  }
0x166: {  	v2 =	vld [tilespmem:s6+$0xFFFFFFE0];
	[tilespmem:s4+$0xFFFFFFC0] =	vst v4  }
0x167: {  	v4 =	vld [tilespmem:s6+$0xFFFFFFF0]  }
0x168: {  	v7 =	vld [tilespmem:s6+$0xFFFFFF90]  }
0x169: {  	v6 =	vld.idx.msk [tilespmem:v6+s31+$0x0], $0xffff  }
0x16a: {  	v8 =	vld.idx.msk [tilespmem:v5+s31+$0x0], $0xffff  }
0x16b: {  	v5 =	vld.idx.msk [tilespmem:v3+s31+$0x0], $0xffff  }
.Ltmp7:
0x16c: {  	v3 =	vld.idx.msk [tilespmem:v0+s31+$0x0], $0xffff;
	(pc) =	sbr.rel @p0 .LBB2_16-.Ltmp7, $4  }
0x16d: {  	v0 =	vld.idx.msk [tilespmem:v1+s31+$0x0], $0xffff  }
0x16e: {  	s4 =	sadd.s32 $0x80, s4;
	v1 =	vld.idx.msk [tilespmem:v2+s31+$0x0], $0xffff  }
0x16f: {  	v2 =	vld.idx.msk [tilespmem:v4+s31+$0x0], $0xffff;
	[tilespmem:s4+$0x30] =	vst v6  }
0x170: {  	s6 =	sadd.s32 $0x80, s6;
	v4 =	vld.idx.msk [tilespmem:v7+s31+$0x0], $0xffff;
	[tilespmem:s4+$0xFFFFFFD0] =	vst v8  }
0x171: {  	[tilespmem:s4+$0xFFFFFFE0] =	vst v5  }
0x172: {  	[tilespmem:s4+$0xFFFFFFF0] =	vst v3  }
0x173: {  	[tilespmem:s4+$0x0] =	vst v0  }
0x174: {  	[tilespmem:s4+$0x10] =	vst v1  }
0x175: {  	[tilespmem:s4+$0x20] =	vst v2  }
0x176: {  	[tilespmem:s4+$0xFFFFFFC0] =	vst v4  }
0x177: {  	[hbm4b:s13+s26] =	stream.strided.scatter [tilespmem:s2], [sflag:$0x1], $0x1000, s30, s26, $0x38;
	[tilespmem:$0x1E700] =	vst v63  }
0x178: {  	_ =	swait.ge [sflag:s1], $0x1000  }
0x179: {  	[sflag:s1] =	ssyncset.done $0x0  }
0x17a: {  	[sflag:s1] =	ssyncadd.s32 $0xFFFFF000  }
0x17b: {  	_ =	swait.ge [sflag:s1], $0x1000  }
0x17c: {  	[sflag:s1] =	ssyncset.done $0x0  }
0x17d: {  	s5 =	simm.s32 $0x0;
	[sflag:s1] =	ssyncadd.s32 $0xFFFFF000  }
0x17e: {  	[tilespmem:s5], [sflag:$0x2] =	stream.strided.gather [hbm4b:s14+s26], $0x4000, s28, s26, $0x38;
	[tilespmem:$0x1E700] =	vst v63  }
0x17f: {  	_ =	swait.ge [sflag:s29], $0x4000  }
0x180: {  	[sflag:s29] =	ssyncset.done $0x0  }
0x181: {  	[sflag:s29] =	ssyncadd.s32 $0xFFFFC000  }
0x182: {  	[tilespmem:s31], [sflag:$0x2] =	stream.strided.gather [hbm4b:s15+s26], $0x18700, s30, s26, $0x38;
	[tilespmem:$0x1E700] =	vst v63  }
0x183: {  	_ =	swait.ge [sflag:s29], $0x18700  }
0x184: {  	[sflag:s29] =	ssyncset.done $0x0  }
0x185: {  	s6 =	simm.s32 $0x40;
	[sflag:s29] =	ssyncadd.s32 $0xFFFE7900  }
0x186: {  	v0 =	vld [tilespmem:s6+$0x30]  }
0x187: {  	v1 =	vld [tilespmem:s6+$0xFFFFFFD0]  }
0x188: {  	v2 =	vld [tilespmem:s6+$0xFFFFFFE0]  }
0x189: {  	v3 =	vld [tilespmem:s6+$0xFFFFFFF0]  }
0x18a: {  	v4 =	vld [tilespmem:s6+$0x0]  }
0x18b: {  	v6 =	vld [tilespmem:s6+$0x10]  }
0x18c: {  	v7 =	vld [tilespmem:s6+$0x20]  }
0x18d: {  	v8 =	vld [tilespmem:s6+$0xFFFFFFC0]  }
0x18e: {  	v9 =	vld.idx.msk [tilespmem:v0+s31+$0x0], $0xffff  }
0x18f: {  	v10 =	vld.idx.msk [tilespmem:v1+s31+$0x0], $0xffff  }
0x190: {  	v5 =	vld.idx.msk [tilespmem:v2+s31+$0x0], $0xffff  }
0x191: {  	v3 =	vld.idx.msk [tilespmem:v3+s31+$0x0], $0xffff  }
0x192: {  	v0 =	vld.idx.msk [tilespmem:v4+s31+$0x0], $0xffff  }
0x193: {  	s4 =	simm.s32 $0x1C740;
	v1 =	vld.idx.msk [tilespmem:v6+s31+$0x0], $0xffff  }
0x194: {  	v2 =	vld.idx.msk [tilespmem:v7+s31+$0x0], $0xffff;
	[tilespmem:s4+$0x30] =	vst v9  }
0x195: {  	s5 =	simm.s32 $0x0;
	s6 =	simm.s32 $0xC0;
	v4 =	vld.idx.msk [tilespmem:v8+s31+$0x0], $0xffff;
	[tilespmem:s4+$0xFFFFFFD0] =	vst v10  }
.LBB2_18:
0x196: {  	v6 =	vld [tilespmem:s6+$0x30];
	s5 =	sadd.s32 $0x80, s5;
	[tilespmem:s4+$0xFFFFFFE0] =	vst v5  }
0x197: {  	v5 =	vld [tilespmem:s6+$0xFFFFFFD0];
	p0 =	slt.u32 s5, $0xF80;
	[tilespmem:s4+$0xFFFFFFF0] =	vst v3  }
0x198: {  	v3 =	vld [tilespmem:s6+$0xFFFFFFE0];
	[tilespmem:s4+$0x0] =	vst v0  }
0x199: {  	v0 =	vld [tilespmem:s6+$0xFFFFFFF0];
	[tilespmem:s4+$0x10] =	vst v1  }
0x19a: {  	v1 =	vld [tilespmem:s6+$0x0];
	[tilespmem:s4+$0x20] =	vst v2  }
0x19b: {  	v2 =	vld [tilespmem:s6+$0x10];
	[tilespmem:s4+$0xFFFFFFC0] =	vst v4  }
0x19c: {  	v4 =	vld [tilespmem:s6+$0x20]  }
0x19d: {  	v7 =	vld [tilespmem:s6+$0xFFFFFFC0]  }
0x19e: {  	v6 =	vld.idx.msk [tilespmem:v6+s31+$0x0], $0xffff  }
0x19f: {  	v8 =	vld.idx.msk [tilespmem:v5+s31+$0x0], $0xffff  }
0x1a0: {  	v5 =	vld.idx.msk [tilespmem:v3+s31+$0x0], $0xffff  }
.Ltmp8:
0x1a1: {  	v3 =	vld.idx.msk [tilespmem:v0+s31+$0x0], $0xffff;
	(pc) =	sbr.rel @p0 .LBB2_18-.Ltmp8, $4  }
0x1a2: {  	v0 =	vld.idx.msk [tilespmem:v1+s31+$0x0], $0xffff  }
0x1a3: {  	s4 =	sadd.s32 $0x80, s4;
	v1 =	vld.idx.msk [tilespmem:v2+s31+$0x0], $0xffff  }
0x1a4: {  	v2 =	vld.idx.msk [tilespmem:v4+s31+$0x0], $0xffff;
	[tilespmem:s4+$0x30] =	vst v6  }
0x1a5: {  	s6 =	sadd.s32 $0x80, s6;
	v4 =	vld.idx.msk [tilespmem:v7+s31+$0x0], $0xffff;
	[tilespmem:s4+$0xFFFFFFD0] =	vst v8  }
0x1a6: {  	[tilespmem:s4+$0xFFFFFFE0] =	vst v5  }
0x1a7: {  	[tilespmem:s4+$0xFFFFFFF0] =	vst v3  }
0x1a8: {  	[tilespmem:s4+$0x0] =	vst v0  }
0x1a9: {  	[tilespmem:s4+$0x10] =	vst v1  }
0x1aa: {  	[tilespmem:s4+$0x20] =	vst v2  }
0x1ab: {  	s6 =	simm.s32 $0x1070;
	[tilespmem:s4+$0xFFFFFFC0] =	vst v4  }
0x1ac: {  	[hbm4b:s23+s26] =	stream.strided.scatter [tilespmem:s0], [sflag:$0x1], $0x1000, s30, s26, $0x38;
	[tilespmem:$0x1E700] =	vst v63  }
0x1ad: {  	v0 =	vld [tilespmem:s6+$0x0]  }
0x1ae: {  	v1 =	vld [tilespmem:s6+$0xFFFFFFA0]  }
0x1af: {  	v2 =	vld [tilespmem:s6+$0xFFFFFFB0]  }
0x1b0: {  	v3 =	vld [tilespmem:s6+$0xFFFFFFC0]  }
0x1b1: {  	v4 =	vld [tilespmem:s6+$0xFFFFFFD0]  }
0x1b2: {  	v6 =	vld [tilespmem:s6+$0xFFFFFFE0]  }
0x1b3: {  	v7 =	vld [tilespmem:s6+$0xFFFFFFF0]  }
0x1b4: {  	v8 =	vld [tilespmem:s6+$0xFFFFFF90]  }
0x1b5: {  	v9 =	vld.idx.msk [tilespmem:v0+s31+$0x0], $0xffff  }
0x1b6: {  	v10 =	vld.idx.msk [tilespmem:v1+s31+$0x0], $0xffff  }
0x1b7: {  	v5 =	vld.idx.msk [tilespmem:v2+s31+$0x0], $0xffff  }
0x1b8: {  	v3 =	vld.idx.msk [tilespmem:v3+s31+$0x0], $0xffff  }
0x1b9: {  	v0 =	vld.idx.msk [tilespmem:v4+s31+$0x0], $0xffff  }
0x1ba: {  	s4 =	simm.s32 $0x1D740;
	v1 =	vld.idx.msk [tilespmem:v6+s31+$0x0], $0xffff  }
0x1bb: {  	v2 =	vld.idx.msk [tilespmem:v7+s31+$0x0], $0xffff;
	[tilespmem:s4+$0x30] =	vst v9  }
0x1bc: {  	s5 =	simm.s32 $0x0;
	s6 =	simm.s32 $0x10F0;
	v4 =	vld.idx.msk [tilespmem:v8+s31+$0x0], $0xffff;
	[tilespmem:s4+$0xFFFFFFD0] =	vst v10  }
.LBB2_20:
0x1bd: {  	v6 =	vld [tilespmem:s6+$0x0];
	s5 =	sadd.s32 $0x80, s5;
	[tilespmem:s4+$0xFFFFFFE0] =	vst v5  }
0x1be: {  	v5 =	vld [tilespmem:s6+$0xFFFFFFA0];
	p0 =	slt.u32 s5, $0xF80;
	[tilespmem:s4+$0xFFFFFFF0] =	vst v3  }
0x1bf: {  	v3 =	vld [tilespmem:s6+$0xFFFFFFB0];
	[tilespmem:s4+$0x0] =	vst v0  }
0x1c0: {  	v0 =	vld [tilespmem:s6+$0xFFFFFFC0];
	[tilespmem:s4+$0x10] =	vst v1  }
0x1c1: {  	v1 =	vld [tilespmem:s6+$0xFFFFFFD0];
	[tilespmem:s4+$0x20] =	vst v2  }
0x1c2: {  	v2 =	vld [tilespmem:s6+$0xFFFFFFE0];
	[tilespmem:s4+$0xFFFFFFC0] =	vst v4  }
0x1c3: {  	v4 =	vld [tilespmem:s6+$0xFFFFFFF0]  }
0x1c4: {  	v7 =	vld [tilespmem:s6+$0xFFFFFF90]  }
0x1c5: {  	v6 =	vld.idx.msk [tilespmem:v6+s31+$0x0], $0xffff  }
0x1c6: {  	v8 =	vld.idx.msk [tilespmem:v5+s31+$0x0], $0xffff  }
0x1c7: {  	v5 =	vld.idx.msk [tilespmem:v3+s31+$0x0], $0xffff  }
.Ltmp9:
0x1c8: {  	v3 =	vld.idx.msk [tilespmem:v0+s31+$0x0], $0xffff;
	(pc) =	sbr.rel @p0 .LBB2_20-.Ltmp9, $4  }
0x1c9: {  	v0 =	vld.idx.msk [tilespmem:v1+s31+$0x0], $0xffff  }
0x1ca: {  	s4 =	sadd.s32 $0x80, s4;
	v1 =	vld.idx.msk [tilespmem:v2+s31+$0x0], $0xffff  }
0x1cb: {  	v2 =	vld.idx.msk [tilespmem:v4+s31+$0x0], $0xffff;
	[tilespmem:s4+$0x30] =	vst v6  }
0x1cc: {  	s6 =	sadd.s32 $0x80, s6;
	v4 =	vld.idx.msk [tilespmem:v7+s31+$0x0], $0xffff;
	[tilespmem:s4+$0xFFFFFFD0] =	vst v8  }
0x1cd: {  	[tilespmem:s4+$0xFFFFFFE0] =	vst v5  }
0x1ce: {  	[tilespmem:s4+$0xFFFFFFF0] =	vst v3  }
0x1cf: {  	[tilespmem:s4+$0x0] =	vst v0  }
0x1d0: {  	[tilespmem:s4+$0x10] =	vst v1  }
0x1d1: {  	[tilespmem:s4+$0x20] =	vst v2  }
0x1d2: {  	[tilespmem:s4+$0xFFFFFFC0] =	vst v4  }
0x1d3: {  	[hbm4b:s24+s26] =	stream.strided.scatter [tilespmem:s2], [sflag:$0x1], $0x1000, s30, s26, $0x38;
	[tilespmem:$0x1E700] =	vst v63  }
0x1d4: {  	_ =	swait.ge [sflag:s1], $0x1000  }
0x1d5: {  	[sflag:s1] =	ssyncset.done $0x0  }
0x1d6: {  	s6 =	simm.s32 $0x2070;
	[sflag:s1] =	ssyncadd.s32 $0xFFFFF000  }
0x1d7: {  	v0 =	vld [tilespmem:s6+$0x0]  }
0x1d8: {  	v1 =	vld [tilespmem:s6+$0xFFFFFFA0]  }
0x1d9: {  	v2 =	vld [tilespmem:s6+$0xFFFFFFB0]  }
0x1da: {  	v3 =	vld [tilespmem:s6+$0xFFFFFFC0]  }
0x1db: {  	v4 =	vld [tilespmem:s6+$0xFFFFFFD0]  }
0x1dc: {  	v6 =	vld [tilespmem:s6+$0xFFFFFFE0]  }
0x1dd: {  	v7 =	vld [tilespmem:s6+$0xFFFFFFF0]  }
0x1de: {  	v8 =	vld [tilespmem:s6+$0xFFFFFF90]  }
0x1df: {  	v9 =	vld.idx.msk [tilespmem:v0+s31+$0x0], $0xffff  }
0x1e0: {  	v10 =	vld.idx.msk [tilespmem:v1+s31+$0x0], $0xffff  }
0x1e1: {  	v5 =	vld.idx.msk [tilespmem:v2+s31+$0x0], $0xffff  }
0x1e2: {  	v3 =	vld.idx.msk [tilespmem:v3+s31+$0x0], $0xffff  }
0x1e3: {  	v0 =	vld.idx.msk [tilespmem:v4+s31+$0x0], $0xffff  }
0x1e4: {  	s4 =	simm.s32 $0x1C740;
	v1 =	vld.idx.msk [tilespmem:v6+s31+$0x0], $0xffff  }
0x1e5: {  	v2 =	vld.idx.msk [tilespmem:v7+s31+$0x0], $0xffff;
	[tilespmem:s4+$0x30] =	vst v9  }
0x1e6: {  	s5 =	simm.s32 $0x0;
	s6 =	simm.s32 $0x20F0;
	v4 =	vld.idx.msk [tilespmem:v8+s31+$0x0], $0xffff;
	[tilespmem:s4+$0xFFFFFFD0] =	vst v10  }
.LBB2_22:
0x1e7: {  	v6 =	vld [tilespmem:s6+$0x0];
	s5 =	sadd.s32 $0x80, s5;
	[tilespmem:s4+$0xFFFFFFE0] =	vst v5  }
0x1e8: {  	v5 =	vld [tilespmem:s6+$0xFFFFFFA0];
	p0 =	slt.u32 s5, $0xF80;
	[tilespmem:s4+$0xFFFFFFF0] =	vst v3  }
0x1e9: {  	v3 =	vld [tilespmem:s6+$0xFFFFFFB0];
	[tilespmem:s4+$0x0] =	vst v0  }
0x1ea: {  	v0 =	vld [tilespmem:s6+$0xFFFFFFC0];
	[tilespmem:s4+$0x10] =	vst v1  }
0x1eb: {  	v1 =	vld [tilespmem:s6+$0xFFFFFFD0];
	[tilespmem:s4+$0x20] =	vst v2  }
0x1ec: {  	v2 =	vld [tilespmem:s6+$0xFFFFFFE0];
	[tilespmem:s4+$0xFFFFFFC0] =	vst v4  }
0x1ed: {  	v4 =	vld [tilespmem:s6+$0xFFFFFFF0]  }
0x1ee: {  	v7 =	vld [tilespmem:s6+$0xFFFFFF90]  }
0x1ef: {  	v6 =	vld.idx.msk [tilespmem:v6+s31+$0x0], $0xffff  }
0x1f0: {  	v8 =	vld.idx.msk [tilespmem:v5+s31+$0x0], $0xffff  }
0x1f1: {  	v5 =	vld.idx.msk [tilespmem:v3+s31+$0x0], $0xffff  }
.Ltmp10:
0x1f2: {  	v3 =	vld.idx.msk [tilespmem:v0+s31+$0x0], $0xffff;
	(pc) =	sbr.rel @p0 .LBB2_22-.Ltmp10, $4  }
0x1f3: {  	v0 =	vld.idx.msk [tilespmem:v1+s31+$0x0], $0xffff  }
0x1f4: {  	s4 =	sadd.s32 $0x80, s4;
	v1 =	vld.idx.msk [tilespmem:v2+s31+$0x0], $0xffff  }
0x1f5: {  	v2 =	vld.idx.msk [tilespmem:v4+s31+$0x0], $0xffff;
	[tilespmem:s4+$0x30] =	vst v6  }
0x1f6: {  	s6 =	sadd.s32 $0x80, s6;
	v4 =	vld.idx.msk [tilespmem:v7+s31+$0x0], $0xffff;
	[tilespmem:s4+$0xFFFFFFD0] =	vst v8  }
0x1f7: {  	[tilespmem:s4+$0xFFFFFFE0] =	vst v5  }
0x1f8: {  	[tilespmem:s4+$0xFFFFFFF0] =	vst v3  }
0x1f9: {  	[tilespmem:s4+$0x0] =	vst v0  }
0x1fa: {  	[tilespmem:s4+$0x10] =	vst v1  }
0x1fb: {  	[tilespmem:s4+$0x20] =	vst v2  }
0x1fc: {  	[tilespmem:s4+$0xFFFFFFC0] =	vst v4  }
0x1fd: {  	[hbm4b:s17+s26] =	stream.strided.scatter [tilespmem:s0], [sflag:$0x1], $0x1000, s30, s26, $0x38;
	[tilespmem:$0x1E700] =	vst v63  }
0x1fe: {  	_ =	swait.ge [sflag:s1], $0x1000  }
0x1ff: {  	[sflag:s1] =	ssyncset.done $0x0  }
0x200: {  	s6 =	simm.s32 $0x3070;
	[sflag:s1] =	ssyncadd.s32 $0xFFFFF000  }
0x201: {  	v0 =	vld [tilespmem:s6+$0x0]  }
0x202: {  	v1 =	vld [tilespmem:s6+$0xFFFFFFA0]  }
0x203: {  	v2 =	vld [tilespmem:s6+$0xFFFFFFB0]  }
0x204: {  	v3 =	vld [tilespmem:s6+$0xFFFFFFC0]  }
0x205: {  	v4 =	vld [tilespmem:s6+$0xFFFFFFD0]  }
0x206: {  	v6 =	vld [tilespmem:s6+$0xFFFFFFE0]  }
0x207: {  	v7 =	vld [tilespmem:s6+$0xFFFFFFF0]  }
0x208: {  	v8 =	vld [tilespmem:s6+$0xFFFFFF90]  }
0x209: {  	v9 =	vld.idx.msk [tilespmem:v0+s31+$0x0], $0xffff  }
0x20a: {  	v10 =	vld.idx.msk [tilespmem:v1+s31+$0x0], $0xffff  }
0x20b: {  	v5 =	vld.idx.msk [tilespmem:v2+s31+$0x0], $0xffff  }
0x20c: {  	v3 =	vld.idx.msk [tilespmem:v3+s31+$0x0], $0xffff  }
0x20d: {  	v0 =	vld.idx.msk [tilespmem:v4+s31+$0x0], $0xffff  }
0x20e: {  	s4 =	simm.s32 $0x1D740;
	v1 =	vld.idx.msk [tilespmem:v6+s31+$0x0], $0xffff  }
0x20f: {  	v2 =	vld.idx.msk [tilespmem:v7+s31+$0x0], $0xffff;
	[tilespmem:s4+$0x30] =	vst v9  }
0x210: {  	s5 =	simm.s32 $0x0;
	s6 =	simm.s32 $0x30F0;
	v4 =	vld.idx.msk [tilespmem:v8+s31+$0x0], $0xffff;
	[tilespmem:s4+$0xFFFFFFD0] =	vst v10  }
.LBB2_24:
0x211: {  	v6 =	vld [tilespmem:s6+$0x0];
	s5 =	sadd.s32 $0x80, s5;
	[tilespmem:s4+$0xFFFFFFE0] =	vst v5  }
0x212: {  	v5 =	vld [tilespmem:s6+$0xFFFFFFA0];
	p0 =	slt.u32 s5, $0xF80;
	[tilespmem:s4+$0xFFFFFFF0] =	vst v3  }
0x213: {  	v3 =	vld [tilespmem:s6+$0xFFFFFFB0];
	[tilespmem:s4+$0x0] =	vst v0  }
0x214: {  	v0 =	vld [tilespmem:s6+$0xFFFFFFC0];
	[tilespmem:s4+$0x10] =	vst v1  }
0x215: {  	v1 =	vld [tilespmem:s6+$0xFFFFFFD0];
	[tilespmem:s4+$0x20] =	vst v2  }
0x216: {  	v2 =	vld [tilespmem:s6+$0xFFFFFFE0];
	[tilespmem:s4+$0xFFFFFFC0] =	vst v4  }
0x217: {  	v4 =	vld [tilespmem:s6+$0xFFFFFFF0]  }
0x218: {  	v7 =	vld [tilespmem:s6+$0xFFFFFF90]  }
0x219: {  	v6 =	vld.idx.msk [tilespmem:v6+s31+$0x0], $0xffff  }
0x21a: {  	v8 =	vld.idx.msk [tilespmem:v5+s31+$0x0], $0xffff  }
0x21b: {  	v5 =	vld.idx.msk [tilespmem:v3+s31+$0x0], $0xffff  }
.Ltmp11:
0x21c: {  	v3 =	vld.idx.msk [tilespmem:v0+s31+$0x0], $0xffff;
	(pc) =	sbr.rel @p0 .LBB2_24-.Ltmp11, $4  }
0x21d: {  	v0 =	vld.idx.msk [tilespmem:v1+s31+$0x0], $0xffff  }
0x21e: {  	s4 =	sadd.s32 $0x80, s4;
	v1 =	vld.idx.msk [tilespmem:v2+s31+$0x0], $0xffff  }
0x21f: {  	v2 =	vld.idx.msk [tilespmem:v4+s31+$0x0], $0xffff;
	[tilespmem:s4+$0x30] =	vst v6  }
0x220: {  	s6 =	sadd.s32 $0x80, s6;
	v4 =	vld.idx.msk [tilespmem:v7+s31+$0x0], $0xffff;
	[tilespmem:s4+$0xFFFFFFD0] =	vst v8  }
0x221: {  	[tilespmem:s4+$0xFFFFFFE0] =	vst v5  }
0x222: {  	[tilespmem:s4+$0xFFFFFFF0] =	vst v3  }
0x223: {  	[tilespmem:s4+$0x0] =	vst v0  }
0x224: {  	[tilespmem:s4+$0x10] =	vst v1  }
0x225: {  	[tilespmem:s4+$0x20] =	vst v2  }
0x226: {  	[tilespmem:s4+$0xFFFFFFC0] =	vst v4  }
0x227: {  	[hbm4b:s18+s26] =	stream.strided.scatter [tilespmem:s2], [sflag:$0x1], $0x1000, s30, s26, $0x38;
	[tilespmem:$0x1E700] =	vst v63  }
0x228: {  	_ =	swait.ge [sflag:s1], $0x1000  }
0x229: {  	[sflag:s1] =	ssyncset.done $0x0  }
0x22a: {  	[sflag:s1] =	ssyncadd.s32 $0xFFFFF000  }
0x22b: {  	_ =	swait.ge [sflag:s1], $0x1000  }
0x22c: {  	[sflag:s1] =	ssyncset.done $0x0  }
0x22d: {  	[sflag:s1] =	ssyncadd.s32 $0xFFFFF000  }
0x22e: {  	[tilespmem:s31], [sflag:$0x2] =	stream.strided.gather [hbm4b:s16+s26], $0x18700, s30, s26, $0x38;
	[tilespmem:$0x1E700] =	vst v63  }
0x22f: {  	_ =	swait.ge [sflag:s29], $0x18700  }
0x230: {  	[sflag:s29] =	ssyncset.done $0x0  }
0x231: {  	s6 =	simm.s32 $0x40;
	[sflag:s29] =	ssyncadd.s32 $0xFFFE7900  }
0x232: {  	v0 =	vld [tilespmem:s6+$0x30]  }
0x233: {  	v1 =	vld [tilespmem:s6+$0xFFFFFFD0]  }
0x234: {  	v2 =	vld [tilespmem:s6+$0xFFFFFFE0]  }
0x235: {  	v3 =	vld [tilespmem:s6+$0xFFFFFFF0]  }
0x236: {  	v4 =	vld [tilespmem:s6+$0x0]  }
0x237: {  	v6 =	vld [tilespmem:s6+$0x10]  }
0x238: {  	v7 =	vld [tilespmem:s6+$0x20]  }
0x239: {  	v8 =	vld [tilespmem:s6+$0xFFFFFFC0]  }
0x23a: {  	v9 =	vld.idx.msk [tilespmem:v0+s31+$0x0], $0xffff  }
0x23b: {  	v10 =	vld.idx.msk [tilespmem:v1+s31+$0x0], $0xffff  }
0x23c: {  	v5 =	vld.idx.msk [tilespmem:v2+s31+$0x0], $0xffff  }
0x23d: {  	v3 =	vld.idx.msk [tilespmem:v3+s31+$0x0], $0xffff  }
0x23e: {  	v0 =	vld.idx.msk [tilespmem:v4+s31+$0x0], $0xffff  }
0x23f: {  	s4 =	simm.s32 $0x1C740;
	v1 =	vld.idx.msk [tilespmem:v6+s31+$0x0], $0xffff  }
0x240: {  	v2 =	vld.idx.msk [tilespmem:v7+s31+$0x0], $0xffff;
	[tilespmem:s4+$0x30] =	vst v9  }
0x241: {  	s5 =	simm.s32 $0x0;
	s6 =	simm.s32 $0xC0;
	v4 =	vld.idx.msk [tilespmem:v8+s31+$0x0], $0xffff;
	[tilespmem:s4+$0xFFFFFFD0] =	vst v10  }
.LBB2_26:
0x242: {  	v6 =	vld [tilespmem:s6+$0x30];
	s5 =	sadd.s32 $0x80, s5;
	[tilespmem:s4+$0xFFFFFFE0] =	vst v5  }
0x243: {  	v5 =	vld [tilespmem:s6+$0xFFFFFFD0];
	p0 =	slt.u32 s5, $0xF80;
	[tilespmem:s4+$0xFFFFFFF0] =	vst v3  }
0x244: {  	v3 =	vld [tilespmem:s6+$0xFFFFFFE0];
	[tilespmem:s4+$0x0] =	vst v0  }
0x245: {  	v0 =	vld [tilespmem:s6+$0xFFFFFFF0];
	[tilespmem:s4+$0x10] =	vst v1  }
0x246: {  	v1 =	vld [tilespmem:s6+$0x0];
	[tilespmem:s4+$0x20] =	vst v2  }
0x247: {  	v2 =	vld [tilespmem:s6+$0x10];
	[tilespmem:s4+$0xFFFFFFC0] =	vst v4  }
0x248: {  	v4 =	vld [tilespmem:s6+$0x20]  }
0x249: {  	v7 =	vld [tilespmem:s6+$0xFFFFFFC0]  }
0x24a: {  	v6 =	vld.idx.msk [tilespmem:v6+s31+$0x0], $0xffff  }
0x24b: {  	v8 =	vld.idx.msk [tilespmem:v5+s31+$0x0], $0xffff  }
0x24c: {  	v5 =	vld.idx.msk [tilespmem:v3+s31+$0x0], $0xffff  }
.Ltmp12:
0x24d: {  	v3 =	vld.idx.msk [tilespmem:v0+s31+$0x0], $0xffff;
	(pc) =	sbr.rel @p0 .LBB2_26-.Ltmp12, $4  }
0x24e: {  	v0 =	vld.idx.msk [tilespmem:v1+s31+$0x0], $0xffff  }
0x24f: {  	s4 =	sadd.s32 $0x80, s4;
	v1 =	vld.idx.msk [tilespmem:v2+s31+$0x0], $0xffff  }
0x250: {  	v2 =	vld.idx.msk [tilespmem:v4+s31+$0x0], $0xffff;
	[tilespmem:s4+$0x30] =	vst v6  }
0x251: {  	s6 =	sadd.s32 $0x80, s6;
	v4 =	vld.idx.msk [tilespmem:v7+s31+$0x0], $0xffff;
	[tilespmem:s4+$0xFFFFFFD0] =	vst v8  }
0x252: {  	[tilespmem:s4+$0xFFFFFFE0] =	vst v5  }
0x253: {  	[tilespmem:s4+$0xFFFFFFF0] =	vst v3  }
0x254: {  	[tilespmem:s4+$0x0] =	vst v0  }
0x255: {  	[tilespmem:s4+$0x10] =	vst v1  }
0x256: {  	[tilespmem:s4+$0x20] =	vst v2  }
0x257: {  	s6 =	simm.s32 $0x1070;
	[tilespmem:s4+$0xFFFFFFC0] =	vst v4  }
0x258: {  	[hbm4b:s19+s26] =	stream.strided.scatter [tilespmem:s0], [sflag:$0x1], $0x1000, s30, s26, $0x38;
	[tilespmem:$0x1E700] =	vst v63  }
0x259: {  	v0 =	vld [tilespmem:s6+$0x0]  }
0x25a: {  	v1 =	vld [tilespmem:s6+$0xFFFFFFA0]  }
0x25b: {  	v2 =	vld [tilespmem:s6+$0xFFFFFFB0]  }
0x25c: {  	v3 =	vld [tilespmem:s6+$0xFFFFFFC0]  }
0x25d: {  	v4 =	vld [tilespmem:s6+$0xFFFFFFD0]  }
0x25e: {  	v6 =	vld [tilespmem:s6+$0xFFFFFFE0]  }
0x25f: {  	v7 =	vld [tilespmem:s6+$0xFFFFFFF0]  }
0x260: {  	v8 =	vld [tilespmem:s6+$0xFFFFFF90]  }
0x261: {  	v9 =	vld.idx.msk [tilespmem:v0+s31+$0x0], $0xffff  }
0x262: {  	v10 =	vld.idx.msk [tilespmem:v1+s31+$0x0], $0xffff  }
0x263: {  	v5 =	vld.idx.msk [tilespmem:v2+s31+$0x0], $0xffff  }
0x264: {  	v3 =	vld.idx.msk [tilespmem:v3+s31+$0x0], $0xffff  }
0x265: {  	v0 =	vld.idx.msk [tilespmem:v4+s31+$0x0], $0xffff  }
0x266: {  	s4 =	simm.s32 $0x1D740;
	v1 =	vld.idx.msk [tilespmem:v6+s31+$0x0], $0xffff  }
0x267: {  	v2 =	vld.idx.msk [tilespmem:v7+s31+$0x0], $0xffff;
	[tilespmem:s4+$0x30] =	vst v9  }
0x268: {  	s5 =	simm.s32 $0x0;
	s6 =	simm.s32 $0x10F0;
	v4 =	vld.idx.msk [tilespmem:v8+s31+$0x0], $0xffff;
	[tilespmem:s4+$0xFFFFFFD0] =	vst v10  }
.LBB2_28:
0x269: {  	v6 =	vld [tilespmem:s6+$0x0];
	s5 =	sadd.s32 $0x80, s5;
	[tilespmem:s4+$0xFFFFFFE0] =	vst v5  }
0x26a: {  	v5 =	vld [tilespmem:s6+$0xFFFFFFA0];
	p0 =	slt.u32 s5, $0xF80;
	[tilespmem:s4+$0xFFFFFFF0] =	vst v3  }
0x26b: {  	v3 =	vld [tilespmem:s6+$0xFFFFFFB0];
	[tilespmem:s4+$0x0] =	vst v0  }
0x26c: {  	v0 =	vld [tilespmem:s6+$0xFFFFFFC0];
	[tilespmem:s4+$0x10] =	vst v1  }
0x26d: {  	v1 =	vld [tilespmem:s6+$0xFFFFFFD0];
	[tilespmem:s4+$0x20] =	vst v2  }
0x26e: {  	v2 =	vld [tilespmem:s6+$0xFFFFFFE0];
	[tilespmem:s4+$0xFFFFFFC0] =	vst v4  }
0x26f: {  	v4 =	vld [tilespmem:s6+$0xFFFFFFF0]  }
0x270: {  	v7 =	vld [tilespmem:s6+$0xFFFFFF90]  }
0x271: {  	v6 =	vld.idx.msk [tilespmem:v6+s31+$0x0], $0xffff  }
0x272: {  	v8 =	vld.idx.msk [tilespmem:v5+s31+$0x0], $0xffff  }
0x273: {  	v5 =	vld.idx.msk [tilespmem:v3+s31+$0x0], $0xffff  }
.Ltmp13:
0x274: {  	v3 =	vld.idx.msk [tilespmem:v0+s31+$0x0], $0xffff;
	(pc) =	sbr.rel @p0 .LBB2_28-.Ltmp13, $4  }
0x275: {  	v0 =	vld.idx.msk [tilespmem:v1+s31+$0x0], $0xffff  }
0x276: {  	s4 =	sadd.s32 $0x80, s4;
	v1 =	vld.idx.msk [tilespmem:v2+s31+$0x0], $0xffff  }
0x277: {  	v2 =	vld.idx.msk [tilespmem:v4+s31+$0x0], $0xffff;
	[tilespmem:s4+$0x30] =	vst v6  }
0x278: {  	s6 =	sadd.s32 $0x80, s6;
	v4 =	vld.idx.msk [tilespmem:v7+s31+$0x0], $0xffff;
	[tilespmem:s4+$0xFFFFFFD0] =	vst v8  }
0x279: {  	[tilespmem:s4+$0xFFFFFFE0] =	vst v5  }
0x27a: {  	[tilespmem:s4+$0xFFFFFFF0] =	vst v3  }
0x27b: {  	[tilespmem:s4+$0x0] =	vst v0  }
0x27c: {  	[tilespmem:s4+$0x10] =	vst v1  }
0x27d: {  	[tilespmem:s4+$0x20] =	vst v2  }
0x27e: {  	[tilespmem:s4+$0xFFFFFFC0] =	vst v4  }
0x27f: {  	[hbm4b:s20+s26] =	stream.strided.scatter [tilespmem:s2], [sflag:$0x1], $0x1000, s30, s26, $0x38;
	[tilespmem:$0x1E700] =	vst v63  }
0x280: {  	_ =	swait.ge [sflag:s1], $0x1000  }
0x281: {  	[sflag:s1] =	ssyncset.done $0x0  }
0x282: {  	s6 =	simm.s32 $0x2070;
	[sflag:s1] =	ssyncadd.s32 $0xFFFFF000  }
0x283: {  	v0 =	vld [tilespmem:s6+$0x0]  }
0x284: {  	v1 =	vld [tilespmem:s6+$0xFFFFFFA0]  }
0x285: {  	v2 =	vld [tilespmem:s6+$0xFFFFFFB0]  }
0x286: {  	v3 =	vld [tilespmem:s6+$0xFFFFFFC0]  }
0x287: {  	v4 =	vld [tilespmem:s6+$0xFFFFFFD0]  }
0x288: {  	v6 =	vld [tilespmem:s6+$0xFFFFFFE0]  }
0x289: {  	v7 =	vld [tilespmem:s6+$0xFFFFFFF0]  }
0x28a: {  	v8 =	vld [tilespmem:s6+$0xFFFFFF90]  }
0x28b: {  	v9 =	vld.idx.msk [tilespmem:v0+s31+$0x0], $0xffff  }
0x28c: {  	v10 =	vld.idx.msk [tilespmem:v1+s31+$0x0], $0xffff  }
0x28d: {  	v5 =	vld.idx.msk [tilespmem:v2+s31+$0x0], $0xffff  }
0x28e: {  	v3 =	vld.idx.msk [tilespmem:v3+s31+$0x0], $0xffff  }
0x28f: {  	v0 =	vld.idx.msk [tilespmem:v4+s31+$0x0], $0xffff  }
0x290: {  	s4 =	simm.s32 $0x1C740;
	v1 =	vld.idx.msk [tilespmem:v6+s31+$0x0], $0xffff  }
0x291: {  	v2 =	vld.idx.msk [tilespmem:v7+s31+$0x0], $0xffff;
	[tilespmem:s4+$0x30] =	vst v9  }
0x292: {  	s5 =	simm.s32 $0x0;
	s6 =	simm.s32 $0x20F0;
	v4 =	vld.idx.msk [tilespmem:v8+s31+$0x0], $0xffff;
	[tilespmem:s4+$0xFFFFFFD0] =	vst v10  }
.LBB2_30:
0x293: {  	v6 =	vld [tilespmem:s6+$0x0];
	s5 =	sadd.s32 $0x80, s5;
	[tilespmem:s4+$0xFFFFFFE0] =	vst v5  }
0x294: {  	v5 =	vld [tilespmem:s6+$0xFFFFFFA0];
	p0 =	slt.u32 s5, $0xF80;
	[tilespmem:s4+$0xFFFFFFF0] =	vst v3  }
0x295: {  	v3 =	vld [tilespmem:s6+$0xFFFFFFB0];
	[tilespmem:s4+$0x0] =	vst v0  }
0x296: {  	v0 =	vld [tilespmem:s6+$0xFFFFFFC0];
	[tilespmem:s4+$0x10] =	vst v1  }
0x297: {  	v1 =	vld [tilespmem:s6+$0xFFFFFFD0];
	[tilespmem:s4+$0x20] =	vst v2  }
0x298: {  	v2 =	vld [tilespmem:s6+$0xFFFFFFE0];
	[tilespmem:s4+$0xFFFFFFC0] =	vst v4  }
0x299: {  	v4 =	vld [tilespmem:s6+$0xFFFFFFF0]  }
0x29a: {  	v7 =	vld [tilespmem:s6+$0xFFFFFF90]  }
0x29b: {  	v6 =	vld.idx.msk [tilespmem:v6+s31+$0x0], $0xffff  }
0x29c: {  	v8 =	vld.idx.msk [tilespmem:v5+s31+$0x0], $0xffff  }
0x29d: {  	v5 =	vld.idx.msk [tilespmem:v3+s31+$0x0], $0xffff  }
.Ltmp14:
0x29e: {  	v3 =	vld.idx.msk [tilespmem:v0+s31+$0x0], $0xffff;
	(pc) =	sbr.rel @p0 .LBB2_30-.Ltmp14, $4  }
0x29f: {  	v0 =	vld.idx.msk [tilespmem:v1+s31+$0x0], $0xffff  }
0x2a0: {  	s4 =	sadd.s32 $0x80, s4;
	v1 =	vld.idx.msk [tilespmem:v2+s31+$0x0], $0xffff  }
0x2a1: {  	v2 =	vld.idx.msk [tilespmem:v4+s31+$0x0], $0xffff;
	[tilespmem:s4+$0x30] =	vst v6  }
0x2a2: {  	s6 =	sadd.s32 $0x80, s6;
	v4 =	vld.idx.msk [tilespmem:v7+s31+$0x0], $0xffff;
	[tilespmem:s4+$0xFFFFFFD0] =	vst v8  }
0x2a3: {  	[tilespmem:s4+$0xFFFFFFE0] =	vst v5  }
0x2a4: {  	[tilespmem:s4+$0xFFFFFFF0] =	vst v3  }
0x2a5: {  	[tilespmem:s4+$0x0] =	vst v0  }
0x2a6: {  	[tilespmem:s4+$0x10] =	vst v1  }
0x2a7: {  	[tilespmem:s4+$0x20] =	vst v2  }
0x2a8: {  	[tilespmem:s4+$0xFFFFFFC0] =	vst v4  }
0x2a9: {  	[hbm4b:s21+s26] =	stream.strided.scatter [tilespmem:s0], [sflag:$0x1], $0x1000, s30, s26, $0x38;
	[tilespmem:$0x1E700] =	vst v63  }
0x2aa: {  	_ =	swait.ge [sflag:s1], $0x1000  }
0x2ab: {  	[sflag:s1] =	ssyncset.done $0x0  }
0x2ac: {  	s6 =	simm.s32 $0x3070;
	[sflag:s1] =	ssyncadd.s32 $0xFFFFF000  }
0x2ad: {  	v0 =	vld [tilespmem:s6+$0x0]  }
0x2ae: {  	v1 =	vld [tilespmem:s6+$0xFFFFFFA0]  }
0x2af: {  	v2 =	vld [tilespmem:s6+$0xFFFFFFB0]  }
0x2b0: {  	v3 =	vld [tilespmem:s6+$0xFFFFFFC0]  }
0x2b1: {  	v4 =	vld [tilespmem:s6+$0xFFFFFFD0]  }
0x2b2: {  	v6 =	vld [tilespmem:s6+$0xFFFFFFE0]  }
0x2b3: {  	v7 =	vld [tilespmem:s6+$0xFFFFFFF0]  }
0x2b4: {  	v8 =	vld [tilespmem:s6+$0xFFFFFF90]  }
0x2b5: {  	v9 =	vld.idx.msk [tilespmem:v0+s31+$0x0], $0xffff  }
0x2b6: {  	v10 =	vld.idx.msk [tilespmem:v1+s31+$0x0], $0xffff  }
0x2b7: {  	v5 =	vld.idx.msk [tilespmem:v2+s31+$0x0], $0xffff  }
0x2b8: {  	v3 =	vld.idx.msk [tilespmem:v3+s31+$0x0], $0xffff  }
0x2b9: {  	v0 =	vld.idx.msk [tilespmem:v4+s31+$0x0], $0xffff  }
0x2ba: {  	s4 =	simm.s32 $0x1D740;
	v1 =	vld.idx.msk [tilespmem:v6+s31+$0x0], $0xffff  }
0x2bb: {  	v2 =	vld.idx.msk [tilespmem:v7+s31+$0x0], $0xffff;
	[tilespmem:s4+$0x30] =	vst v9  }
0x2bc: {  	s5 =	simm.s32 $0x0;
	s6 =	simm.s32 $0x30F0;
	v4 =	vld.idx.msk [tilespmem:v8+s31+$0x0], $0xffff;
	[tilespmem:s4+$0xFFFFFFD0] =	vst v10  }
.LBB2_32:
0x2bd: {  	v6 =	vld [tilespmem:s6+$0x0];
	s5 =	sadd.s32 $0x80, s5;
	[tilespmem:s4+$0xFFFFFFE0] =	vst v5  }
0x2be: {  	v5 =	vld [tilespmem:s6+$0xFFFFFFA0];
	p0 =	slt.u32 s5, $0xF80;
	[tilespmem:s4+$0xFFFFFFF0] =	vst v3  }
0x2bf: {  	v3 =	vld [tilespmem:s6+$0xFFFFFFB0];
	[tilespmem:s4+$0x0] =	vst v0  }
0x2c0: {  	v0 =	vld [tilespmem:s6+$0xFFFFFFC0];
	[tilespmem:s4+$0x10] =	vst v1  }
0x2c1: {  	v1 =	vld [tilespmem:s6+$0xFFFFFFD0];
	[tilespmem:s4+$0x20] =	vst v2  }
0x2c2: {  	v2 =	vld [tilespmem:s6+$0xFFFFFFE0];
	[tilespmem:s4+$0xFFFFFFC0] =	vst v4  }
0x2c3: {  	v4 =	vld [tilespmem:s6+$0xFFFFFFF0]  }
0x2c4: {  	v7 =	vld [tilespmem:s6+$0xFFFFFF90]  }
0x2c5: {  	v6 =	vld.idx.msk [tilespmem:v6+s31+$0x0], $0xffff  }
0x2c6: {  	v8 =	vld.idx.msk [tilespmem:v5+s31+$0x0], $0xffff  }
0x2c7: {  	v5 =	vld.idx.msk [tilespmem:v3+s31+$0x0], $0xffff  }
.Ltmp15:
0x2c8: {  	v3 =	vld.idx.msk [tilespmem:v0+s31+$0x0], $0xffff;
	(pc) =	sbr.rel @p0 .LBB2_32-.Ltmp15, $4  }
0x2c9: {  	v0 =	vld.idx.msk [tilespmem:v1+s31+$0x0], $0xffff  }
0x2ca: {  	s4 =	sadd.s32 $0x80, s4;
	v1 =	vld.idx.msk [tilespmem:v2+s31+$0x0], $0xffff  }
0x2cb: {  	v2 =	vld.idx.msk [tilespmem:v4+s31+$0x0], $0xffff;
	[tilespmem:s4+$0x30] =	vst v6  }
0x2cc: {  	s6 =	sadd.s32 $0x80, s6;
	v4 =	vld.idx.msk [tilespmem:v7+s31+$0x0], $0xffff;
	[tilespmem:s4+$0xFFFFFFD0] =	vst v8  }
0x2cd: {  	[tilespmem:s4+$0xFFFFFFE0] =	vst v5  }
0x2ce: {  	[tilespmem:s4+$0xFFFFFFF0] =	vst v3  }
0x2cf: {  	[tilespmem:s4+$0x0] =	vst v0  }
0x2d0: {  	[tilespmem:s4+$0x10] =	vst v1  }
0x2d1: {  	[tilespmem:s4+$0x20] =	vst v2  }
0x2d2: {  	s3 =	sadd.s32 $0x1, s3;
	[tilespmem:s4+$0xFFFFFFC0] =	vst v4  }
0x2d3: {  	[hbm4b:s22+s26] =	stream.strided.scatter [tilespmem:s2], [sflag:$0x1], $0x1000, s30, s26, $0x38;
	[tilespmem:$0x1E700] =	vst v63  }
0x2d4: {  	p0 =	sne.s32 s3, s25;
	_ =	swait.ge [sflag:s1], $0x1000  }
.Ltmp16:
0x2d5: {  	[sflag:s1] =	ssyncset.done $0x0;
	(pc) =	sbr.rel @p0 .LBB2_1-.Ltmp16, $4  }
0x2d6: {  	[sflag:s1] =	ssyncadd.s32 $0xFFFFF000  }
0x2d7: {  	_ =	swait.ge [sflag:s1], $0x1000  }
0x2d8: {  	[sflag:s1] =	ssyncset.done $0x0  }
0x2d9: {  	[sflag:s1] =	ssyncadd.s32 $0xFFFFF000  }
0x2da: {  	_ =	sfence.sel $0x180000  }
0x2db: {  	[bflag:$0x0] =	sbarrier.arrive $0xFFFF  }
0x2dc: {  	_ =	strace $0x90000047  }
0x2dd: {  	s0 =	stileid.u32;
	[bflag:$0x2] =	sbarrier.arrive $0xFFFF  }
0x2de: {  	p0 =	sne.s32 s0, $0x0;
	s0 =	rddreg [dreg:$0x4]  }
0x2df: {  	s0 =	sadd.s32 @!p0 $0x100000, s0  }
0x2e0: {  	[sflag:s0] =	ssyncadd.tile.s32 @!p0 $0x1;
	_ =	shalt  }
.Lfunc_end2:
_tile_overlayer_lowered:
.L_overlay_start_2:
0x2e1: {  	(tag) =	ssettag $0x2  }
0x2e2: {  	s0 =	rddreg [dreg:$0x0];
	s2 =	stileid.u32  }
0x2e3: {  	s1 =	rddreg [dreg:$0x1];
	p0 =	sne.s32 s2, $0x0  }
0x2e4: {  	s3 =	rddreg [dreg:$0x2];
	[bflag:$0x3] =	sbarrier.arrive $0xFFFF;
	s2 =	simm.s32 @!p0 $0x1C02  }
0x2e5: {  	[timem:s3], [sflag:s2] =	dma.local @!p0 [hbm:s0], s1  }
0x2e6: {  	s0 =	simm.s32 @!p0 $0x2  }
0x2e7: {  	_ =	swait.ge @!p0 [sflag:s0], s1  }
0x2e8: {  	s1 =	ssub.s32 @!p0 $0x0, s1;
	[sflag:s0] =	ssyncset.done @!p0 $0x0  }
0x2e9: {  	[sflag:s0] =	ssyncadd.s32 @!p0 s1  }
0x2ea: {  	[bflag:$0x3] =	sbarrier.arrive $0xFFFF  }
0x2eb: {  	_ =	shalt  }

</sc_bundles>
